<compile_context>
chip_gen: v7x
topology: tpu7x:2x2x1
jax: 0.10.2.dev20260603
libtpu: 0.0.44.dev20260713+nightly
codegen_flags: <defaults>
</compile_context>

<pallas_src>
import functools

import jax
import jax.numpy as jnp
from jax import lax
from jax.experimental import pallas as pl
from jax.experimental.pallas import tpu as pltpu
from jax.experimental.pallas import tpu_sc as plsc

M = 10000
E = 320000
FIN = 128
B = 8
K = 3

NT = 16
SR = 640
M_P = SR * NT
PTE = E // NT
CH = 800
NCH = PTE // CH

_MAGIC = 0x5F3759DF

_mesh = plsc.VectorSubcoreMesh(
    core_axis_name="c", subcore_axis_name="s", num_cores=1, num_subcores=NT
)

_sc_scratch = [
    pltpu.VMEM_SHARED((M_P,), jnp.float32),
    pltpu.VMEM_SHARED((M_P,), jnp.float32),
    pltpu.VMEM_SHARED((M_P, 16), jnp.float32),
    pltpu.VMEM_SHARED((M_P, 16), jnp.float32),
    pltpu.VMEM_SHARED((M_P, 16), jnp.float32),
    pltpu.VMEM_SHARED((M_P, 16), jnp.float32),
    pltpu.VMEM((CH,), jnp.int32),
    pltpu.VMEM((CH,), jnp.int32),
    pltpu.VMEM((CH, 16), jnp.float32),
    pltpu.VMEM((CH,), jnp.float32),
    pltpu.VMEM((SR,), jnp.float32),
    pltpu.VMEM((SR, 16), jnp.float32),
    pltpu.VMEM((SR, 16), jnp.float32),
    pltpu.VMEM((SR, 16), jnp.float32),
    pltpu.VMEM((SR, 16), jnp.float32),
    pltpu.VMEM((SR, 16), jnp.float32),
    pltpu.VMEM((SR, 16), jnp.float32),
    pltpu.VMEM((SR,), jnp.float32),
    pltpu.VMEM((SR,), jnp.float32),
    pltpu.VMEM((4, 16), jnp.float32),
]


@functools.partial(
    pl.kernel,
    out_type=jax.ShapeDtypeStruct((M_P, 16), jnp.float32),
    mesh=_mesh,
    scratch_types=_sc_scratch,
    compiler_params=pltpu.CompilerParams(
        needs_layout_passes=False, use_tc_tiling_on_sc=False
    ),
)
def _sc_cheb(rows_hbm, cols_hbm, za_hbm, zb_hbm, cons_hbm, out_hbm,
             sp_deg_r, sp_deg_c, sp_in, sp_acc1, sp_acc2, sp_h,
             ridx, cidx, gbuf, ones_v, zb1, zeros_v,
             wa, wb, wc, invr16, invc16, wdr, wdc, cons_v):
    t = lax.axis_index("s")
    ebase = t * PTE
    rbase = t * SR
    i16 = lax.iota(jnp.int32, 16)
    perm8 = jnp.bitwise_and(i16 + 8, 15)

    def rot8(v):
        return jnp.take_along_axis(
            v, perm8, axis=0, mode=lax.GatherScatterMode.PROMISE_IN_BOUNDS
        )

    def fill1(ref, n, val):
        def bd(i, _):
            ref[pl.ds(i * 16, 16)] = jnp.full((16,), val, jnp.float32)
            return 0
        lax.fori_loop(0, n, bd, 0)

    def fill2(ref, val):
        def bd(i, _):
            ref[i] = jnp.full((16,), val, jnp.float32)
            return 0
        lax.fori_loop(0, SR, bd, 0)

    def stripe(sp2d):
        return sp2d.at[pl.ds(rbase, SR)]

    def zero_acc(sp2d):
        pltpu.sync_copy(zeros_v, stripe(sp2d))

    def ew(body):
        def bd(i, _):
            body(i)
            return 0
        lax.fori_loop(0, SR, bd, 0)

    def s_pass(acc2d):
        def ch_body(ci, _):
            off = ebase + ci * CH
            pltpu.sync_copy(cols_hbm.at[pl.ds(off, CH)], cidx)
            pltpu.sync_copy(sp_in.at[cidx], gbuf)
            pltpu.sync_copy(rows_hbm.at[pl.ds(off, CH)], ridx)
            pltpu.sync_copy(gbuf, acc2d.at[ridx], add=True)
            return 0
        lax.fori_loop(0, NCH, ch_body, 0)

    fill1(ones_v, CH // 16, 1.0)
    fill1(zb1, SR // 16, 0.0)
    fill2(zeros_v, 0.0)
    pltpu.sync_copy(cons_hbm, cons_v)
    pltpu.sync_copy(zb1, sp_deg_r.at[pl.ds(rbase, SR)])
    pltpu.sync_copy(zb1, sp_deg_c.at[pl.ds(rbase, SR)])
    plsc.subcore_barrier()

    def deg_chunk(ci, _):
        off = ebase + ci * CH
        pltpu.sync_copy(rows_hbm.at[pl.ds(off, CH)], ridx)
        pltpu.sync_copy(cols_hbm.at[pl.ds(off, CH)], cidx)
        pltpu.sync_copy(ones_v, sp_deg_r.at[ridx], add=True)
        pltpu.sync_copy(ones_v, sp_deg_c.at[cidx], add=True)
        return 0
    lax.fori_loop(0, NCH, deg_chunk, 0)
    plsc.subcore_barrier()

    pltpu.sync_copy(sp_deg_r.at[pl.ds(rbase, SR)], wdr)
    pltpu.sync_copy(sp_deg_c.at[pl.ds(rbase, SR)], wdc)

    def inv_ref(ref):
        def bd(i, _):
            s = pl.ds(i * 16, 16)
            x = jnp.maximum(ref[s], 1.0)
            yi = (jnp.full((16,), _MAGIC, jnp.int32)
                  - lax.shift_right_logical(plsc.bitcast(x, jnp.int32), 1))
            y = plsc.bitcast(yi, jnp.float32)
            y = y * (1.5 - 0.5 * x * y * y)
            y = y * (1.5 - 0.5 * x * y * y)
            y = y * (1.5 - 0.5 * x * y * y)
            ref[s] = y
            return 0
        lax.fori_loop(0, SR // 16, bd, 0)
    inv_ref(wdr)
    inv_ref(wdc)

    def expand(i, _):
        sp = jnp.full((16,), i, jnp.int32)
        vr = plsc.load_gather(wdr, [sp])
        vc = plsc.load_gather(wdc, [sp])
        invr16[i] = vr
        invc16[i] = vc
        return 0
    lax.fori_loop(0, SR, expand, 0)

    rr = cons_v[0]
    c1 = cons_v[1]
    c2 = cons_v[2]
    c3 = cons_v[3]

    pltpu.sync_copy(za_hbm.at[pl.ds(rbase, SR)], wa)
    ew(lambda i: wa.__setitem__(i, wa[i] * invc16[i]))
    pltpu.sync_copy(wa, stripe(sp_in))
    zero_acc(sp_acc1)
    plsc.subcore_barrier()
    s_pass(sp_acc1)
    plsc.subcore_barrier()

    pltpu.sync_copy(stripe(sp_acc1), wa)
    ew(lambda i: wb.__setitem__(i, invr16[i] * invc16[i] * rot8(wa[i])))
    pltpu.sync_copy(wb, stripe(sp_in))
    zero_acc(sp_acc2)
    plsc.subcore_barrier()
    s_pass(sp_acc2)
    plsc.subcore_barrier()

    pltpu.sync_copy(zb_hbm.at[pl.ds(rbase, SR)], wa)
    pltpu.sync_copy(stripe(sp_acc1), wb)
    pltpu.sync_copy(stripe(sp_acc2), wc)
    ew(lambda i: wa.__setitem__(
        i, jnp.maximum(
            wa[i] - invr16[i] * wb[i] + 2.0 * invr16[i] * wc[i] + rr, 0.0)))
    pltpu.sync_copy(wa, stripe(sp_h))
    ew(lambda i: wb.__setitem__(i, invc16[i] * wa[i]))
    pltpu.sync_copy(wb, stripe(sp_in))
    zero_acc(sp_acc1)
    plsc.subcore_barrier()
    s_pass(sp_acc1)
    plsc.subcore_barrier()

    pltpu.sync_copy(stripe(sp_acc1), wb)
    ew(lambda i: wb.__setitem__(i, invr16[i] * invc16[i] * wb[i]))
    pltpu.sync_copy(wb, stripe(sp_in))
    zero_acc(sp_acc2)
    plsc.subcore_barrier()
    s_pass(sp_acc2)
    plsc.subcore_barrier()

    pltpu.sync_copy(stripe(sp_h), wa)
    pltpu.sync_copy(stripe(sp_acc1), wb)
    pltpu.sync_copy(stripe(sp_acc2), wc)
    ew(lambda i: wa.__setitem__(
        i, jnp.maximum(
            c1 * wa[i] + invr16[i] * (c3 * wc[i] - c2 * wb[i]) + rr, 0.0)))
    pltpu.sync_copy(wa, out_hbm.at[pl.ds(rbase, SR)])


def _proj_body(x_ref, w_ref, za_ref, zb_ref):
    bm = x_ref.shape[1]
    xall = x_ref[...].reshape(B * bm, FIN)
    v = lax.dot_general(
        xall, w_ref[...], (((1,), (0,)), ((), ())),
        preferred_element_type=jnp.float32,
    )
    v1 = [v[b * bm:(b + 1) * bm, 1:2] for b in range(B)]
    v2 = [v[b * bm:(b + 1) * bm, 2:3] for b in range(B)]
    v02 = [v[b * bm:(b + 1) * bm, 0:1] - v[b * bm:(b + 1) * bm, 2:3]
           for b in range(B)]
    za_ref[...] = jnp.concatenate(v1 + v2, axis=1)
    zb_ref[...] = jnp.concatenate(
        v02 + [jnp.zeros((bm, 8), jnp.float32)], axis=1)


_BM = 1000
_proj = pl.pallas_call(
    _proj_body,
    grid=(M // _BM,),
    in_specs=[
        pl.BlockSpec((B, _BM, FIN), lambda i: (0, i, 0)),
        pl.BlockSpec((FIN, K), lambda i: (0, 0)),
    ],
    out_specs=[
        pl.BlockSpec((_BM, 16), lambda i: (i, 0)),
        pl.BlockSpec((_BM, 16), lambda i: (i, 0)),
    ],
    out_shape=[
        jax.ShapeDtypeStruct((M, 16), jnp.float32),
        jax.ShapeDtypeStruct((M, 16), jnp.float32),
    ],
)


def kernel(x, edge_index, w_gcn_0, w_gcn_1, w_rlu):
    row = edge_index[0].astype(jnp.int32)
    col = edge_index[1].astype(jnp.int32)
    wm = w_gcn_0.reshape(FIN, K)
    za, zb = _proj(x, wm)
    za = jnp.pad(za, ((0, M_P - M), (0, 0)))
    zb = jnp.pad(zb, ((0, M_P - M), (0, 0)))
    g = w_gcn_1[:, 0]
    r = w_rlu[0, 0, 0]
    cons = jnp.stack([
        jnp.full((16,), r, jnp.float32),
        jnp.full((16,), g[0] - g[2], jnp.float32),
        jnp.full((16,), g[1], jnp.float32),
        jnp.full((16,), 2.0 * g[2], jnp.float32),
    ])
    outp = _sc_cheb(row, col, za, zb, cons)
    return jnp.transpose(outp[:M, :8])

# --- scband reference (transcript-rebuilt; emitter-appended) ---
"""Pipeline reference for scband-my-layer-67946382623286 (READ-ONLY COPY).

The authoritative reference and input builder live on the scoring server;
editing this copy changes nothing except your own understanding.
"""

import jax, jax.numpy as jnp
import numpy as np

M_NODES = 10000
E_EDGES = 320000
FIN = 128
BATCH = 8
OUT_DIM = 1
NEIBS = 3


def _glorot(key, shape):
    init_range = np.sqrt(6.0 / (shape[0] + shape[1]))
    return jax.random.uniform(key, shape, jnp.float32, -init_range, init_range)


def setup_inputs(seed: int = 0) -> dict:
    key = jax.random.key(seed)
    k1, k2, k3, k4, k5 = jax.random.split(key, 5)
    x = jax.random.normal(k1, (BATCH, M_NODES, FIN), dtype=jnp.float32)
    edge_index = jax.random.randint(k2, (2, E_EDGES), 0, M_NODES, dtype=jnp.int32).astype(jnp.int64)
    w_gcn_0 = _glorot(k3, (FIN * NEIBS, OUT_DIM))
    w_gcn_1 = _glorot(k4, (OUT_DIM * NEIBS, OUT_DIM))
    w_rlu = jax.random.uniform(k5, (1, 1, OUT_DIM), jnp.float32, -0.05, 0.05)
    return {"x": x, "edge_index": edge_index, "w_gcn_0": w_gcn_0, "w_gcn_1": w_gcn_1, "w_rlu": w_rlu}


def _rescaled_laplacian(edge_index, n_nodes):
    # normalized Laplacian L = I - D^-1/2 A D^-1/2, rescaled with lmax=2: 2L/lmax - I = -D^-1/2 A D^-1/2
    row = edge_index[0]
    col = edge_index[1]
    ones = jnp.ones(row.shape[0], dtype=jnp.float32)
    deg_r = jnp.zeros((n_nodes,), jnp.float32).at[row].add(ones)
    deg_c = jnp.zeros((n_nodes,), jnp.float32).at[col].add(ones)
    inv_r = jax.lax.rsqrt(jnp.maximum(deg_r, 1.0))
    inv_c = jax.lax.rsqrt(jnp.maximum(deg_c, 1.0))
    vals = -(inv_r[row] * inv_c[col])
    return row, col, vals


def _spmm(row, col, vals, xmat, n_nodes):
    # sparse [M,M] @ dense [M,F] via gather + scatter-add
    gathered = vals[:, None] * jnp.take(xmat, col, axis=0)
    return jnp.zeros((n_nodes, xmat.shape[1]), jnp.float32).at[row].add(gathered)


def _cheb_gcn(x, row, col, vals, w):
    # x: [B, M, Fin] -> Chebyshev K=3 filtering -> [B, M, out_dim]
    B, M, Fin = x.shape
    x0 = jnp.transpose(x, (1, 2, 0)).reshape(M, Fin * B)
    x1 = _spmm(row, col, vals, x0, M)
    x2 = 2.0 * _spmm(row, col, vals, x1, M) - x0
    xs = jnp.stack([x0, x1, x2], axis=0)  # [3, M, Fin*B]
    xs = xs.reshape(NEIBS, M, Fin, B)
    xs = jnp.transpose(xs, (3, 1, 2, 0)).reshape(B * M, Fin * NEIBS)
    out = xs @ w  # [B*M, out_dim]
    return out.reshape(B, M, -1)


def reference(x, edge_index, w_gcn_0, w_gcn_1, w_rlu):
    row, col, vals = _rescaled_laplacian(edge_index, M_NODES)
    # gcn1
    h = _cheb_gcn(x, row, col, vals, w_gcn_0)
    h = jax.nn.relu(h + w_rlu)  # brelu
    # MaxPooling1D(pool_size=1, padding='same') is identity
    # gcn2
    h = _cheb_gcn(h, row, col, vals, w_gcn_1)
    h = jax.nn.relu(h + w_rlu)
    out = jnp.squeeze(h, axis=2)  # [B, M]
    return out

if __name__ == "__main__":
    import jax
    _d = setup_inputs()
    print(jax.jit(kernel)(*tuple(_d.values())))

</pallas_src>

<mosaic_0001>
#map = affine_map<(d0, d1) -> (0)>
#map1 = affine_map<(d0, d1) -> (0, 0)>
module attributes {stable_mosaic.version = 14 : i64} {
  func.func @_sc_cheb(%arg0: i32, %arg1: i32, %arg2: memref<320000xi32, #tpu.memory_space<hbm>>, %arg3: memref<320000xi32, #tpu.memory_space<hbm>>, %arg4: memref<10240x16xf32, #tpu.memory_space<hbm>>, %arg5: memref<10240x16xf32, #tpu.memory_space<hbm>>, %arg6: memref<4x16xf32, #tpu.memory_space<hbm>>, %arg7: memref<10240x16xf32, #tpu.memory_space<hbm>>, %arg8: memref<10240xf32, #tpu.memory_space<vmem_shared>>, %arg9: memref<10240xf32, #tpu.memory_space<vmem_shared>>, %arg10: memref<10240x16xf32, #tpu.memory_space<vmem_shared>>, %arg11: memref<10240x16xf32, #tpu.memory_space<vmem_shared>>, %arg12: memref<10240x16xf32, #tpu.memory_space<vmem_shared>>, %arg13: memref<10240x16xf32, #tpu.memory_space<vmem_shared>>, %arg14: memref<800xi32, #tpu.memory_space<vmem>>, %arg15: memref<800xi32, #tpu.memory_space<vmem>>, %arg16: memref<800x16xf32, #tpu.memory_space<vmem>>, %arg17: memref<800xf32, #tpu.memory_space<vmem>>, %arg18: memref<640xf32, #tpu.memory_space<vmem>>, %arg19: memref<640x16xf32, #tpu.memory_space<vmem>>, %arg20: memref<640x16xf32, #tpu.memory_space<vmem>>, %arg21: memref<640x16xf32, #tpu.memory_space<vmem>>, %arg22: memref<640x16xf32, #tpu.memory_space<vmem>>, %arg23: memref<640x16xf32, #tpu.memory_space<vmem>>, %arg24: memref<640x16xf32, #tpu.memory_space<vmem>>, %arg25: memref<640xf32, #tpu.memory_space<vmem>>, %arg26: memref<640xf32, #tpu.memory_space<vmem>>, %arg27: memref<4x16xf32, #tpu.memory_space<vmem>>) attributes {dimension_semantics = [#tpu.dimension_semantics<core_parallel>, #tpu.dimension_semantics<subcore_parallel>], iteration_bounds = array<i64: 1, 16>, scalar_prefetch = 0 : i64, scratch_operands = 20 : i64, tpu.core_type = #tpu.core_type<sc_vector_subcore>, window_params = [{transform_indices = #map}, {transform_indices = #map}, {transform_indices = #map1}, {transform_indices = #map1}, {transform_indices = #map1}, {transform_indices = #map1}]} {
    %mul3A = arith.constant 20000 : i32
    %mul3A_0 = arith.muli %arg1, %mul3A : i32
    %mul3A_1 = arith.constant 640 : i32
    %mul3A_2 = arith.muli %arg1, %mul3A_1 : i32
    %iota3A = tpu.iota {dimensions = array<i32: 0>} : vector<16xi32>
    %add3A = arith.constant 8 : i32
    %add3A_3 = vector.broadcast %add3A : i32 to vector<16xi32>
    %add3A_4 = arith.addi %iota3A, %add3A_3 : vector<16xi32>
    %and3A = arith.constant 15 : i32
    %and3A_5 = vector.broadcast %and3A : i32 to vector<16xi32>
    %and3A_6 = arith.andi %add3A_4, %and3A_5 : vector<16xi32>
    %scan3A = arith.constant 0 : i32
    %scan3A_7 = arith.constant 0 : i32
    %scan3A_8 = arith.constant 50 : i32
    %scan3A_9 = arith.addi %scan3A_7, %scan3A_8 : i32
    %scan3A_10 = arith.constant 1 : i32
    %scan3A_11 = scf.for %scan3A_149 = %scan3A_7 to %scan3A_9 step %scan3A_10 iter_args(%scan3A_150 = %scan3A) -> (i32)  : i32 {
      %broadcast_in_dim3A = arith.constant 1.000000e+00 : f32
      %broadcast_in_dim3A_151 = vector.broadcast %broadcast_in_dim3A : f32 to vector<16xf32>
      %mul3A_152 = arith.constant 16 : i32
      %mul3A_153 = arith.muli %scan3A_149, %mul3A_152 : i32
      %swap3A = arith.index_cast %mul3A_153 : i32 to index
      %swap3A_154 = tpu.vector_load %arg17[%swap3A] {strides = array<i32>} : memref<800xf32, #tpu.memory_space<vmem>>, vector<16xf32>,
      tpu.vector_store %arg17[%swap3A], %broadcast_in_dim3A_151 {strides = array<i32>} : memref<800xf32, #tpu.memory_space<vmem>>, vector<16xf32>,
      %scan3A_155 = arith.constant 0 : i32
      scf.yield %scan3A_155 : i32
    }
    %scan3A_12 = arith.constant 50 : i32
    %scan3A_13 = arith.constant 0 : i32
    %scan3A_14 = arith.constant 0 : i32
    %scan3A_15 = arith.constant 40 : i32
    %scan3A_16 = arith.addi %scan3A_14, %scan3A_15 : i32
    %scan3A_17 = arith.constant 1 : i32
    %scan3A_18 = scf.for %scan3A_149 = %scan3A_14 to %scan3A_16 step %scan3A_17 iter_args(%scan3A_150 = %scan3A_13) -> (i32)  : i32 {
      %broadcast_in_dim3A = arith.constant 0.000000e+00 : f32
      %broadcast_in_dim3A_151 = vector.broadcast %broadcast_in_dim3A : f32 to vector<16xf32>
      %mul3A_152 = arith.constant 16 : i32
      %mul3A_153 = arith.muli %scan3A_149, %mul3A_152 : i32
      %swap3A = arith.index_cast %mul3A_153 : i32 to index
      %swap3A_154 = tpu.vector_load %arg18[%swap3A] {strides = array<i32>} : memref<640xf32, #tpu.memory_space<vmem>>, vector<16xf32>,
      tpu.vector_store %arg18[%swap3A], %broadcast_in_dim3A_151 {strides = array<i32>} : memref<640xf32, #tpu.memory_space<vmem>>, vector<16xf32>,
      %scan3A_155 = arith.constant 0 : i32
      scf.yield %scan3A_155 : i32
    }
    %scan3A_19 = arith.constant 40 : i32
    %scan3A_20 = arith.constant 0 : i32
    %scan3A_21 = arith.constant 0 : i32
    %scan3A_22 = arith.constant 640 : i32
    %scan3A_23 = arith.addi %scan3A_21, %scan3A_22 : i32
    %scan3A_24 = arith.constant 1 : i32
    %scan3A_25 = scf.for %scan3A_149 = %scan3A_21 to %scan3A_23 step %scan3A_24 iter_args(%scan3A_150 = %scan3A_20) -> (i32)  : i32 {
      %broadcast_in_dim3A = arith.constant 0.000000e+00 : f32
      %broadcast_in_dim3A_151 = vector.broadcast %broadcast_in_dim3A : f32 to vector<16xf32>
      %swap3A = arith.index_cast %scan3A_149 : i32 to index
      %swap3A_152 = arith.constant 0 : index
      %swap3A_153 = tpu.vector_load %arg19[%swap3A, %swap3A_152] {strides = array<i32>} : memref<640x16xf32, #tpu.memory_space<vmem>>, vector<16xf32>,
      tpu.vector_store %arg19[%swap3A, %swap3A_152], %broadcast_in_dim3A_151 {strides = array<i32>} : memref<640x16xf32, #tpu.memory_space<vmem>>, vector<16xf32>,
      %scan3A_154 = arith.constant 0 : i32
      scf.yield %scan3A_154 : i32
    }
    %scan3A_26 = arith.constant 640 : i32
    "tpu.region"() ({
      %run_scoped3A = tpu.sem_alloc : memref<!tpu.dma_semaphore, #tpu.memory_space<semaphore_mem>>
      tpu.enqueue_dma source(%arg6 : memref<4x16xf32, #tpu.memory_space<hbm>>) target(%arg27 : memref<4x16xf32, #tpu.memory_space<vmem>>) target_semaphore(%run_scoped3A : memref<!tpu.dma_semaphore, #tpu.memory_space<semaphore_mem>>)
      tpu.wait_dma2 semaphore(%run_scoped3A : memref<!tpu.dma_semaphore, #tpu.memory_space<semaphore_mem>>) src(%arg6 : memref<4x16xf32, #tpu.memory_space<hbm>>) dst(%arg27 : memref<4x16xf32, #tpu.memory_space<vmem>>)
      tpu.yield
    }) : () -> ()
    "tpu.region"() ({
      %run_scoped3A = tpu.sem_alloc : memref<!tpu.dma_semaphore, #tpu.memory_space<semaphore_mem>>
      %dma_start3A = tpu.memref_slice %arg8[%mul3A_2] : memref<10240xf32, #tpu.memory_space<vmem_shared>> -> memref<640xf32, #tpu.memory_space<vmem_shared>>
      %dma_start3A_149 = tpu.memref_slice %arg8[%mul3A_2] : memref<10240xf32, #tpu.memory_space<vmem_shared>> -> memref<640xf32, #tpu.memory_space<vmem_shared>>
      tpu.enqueue_dma source(%arg18 : memref<640xf32, #tpu.memory_space<vmem>>) target(%dma_start3A_149 : memref<640xf32, #tpu.memory_space<vmem_shared>>) target_semaphore(%run_scoped3A : memref<!tpu.dma_semaphore, #tpu.memory_space<semaphore_mem>>)
      %dma_wait3A = tpu.memref_slice %arg8[%mul3A_2] : memref<10240xf32, #tpu.memory_space<vmem_shared>> -> memref<640xf32, #tpu.memory_space<vmem_shared>>
      %dma_wait3A_150 = tpu.memref_slice %arg8[%mul3A_2] : memref<10240xf32, #tpu.memory_space<vmem_shared>> -> memref<640xf32, #tpu.memory_space<vmem_shared>>
      tpu.wait_dma2 semaphore(%run_scoped3A : memref<!tpu.dma_semaphore, #tpu.memory_space<semaphore_mem>>) src(%arg18 : memref<640xf32, #tpu.memory_space<vmem>>) dst(%dma_wait3A_150 : memref<640xf32, #tpu.memory_space<vmem_shared>>)
      tpu.yield
    }) : () -> ()
    "tpu.region"() ({
      %run_scoped3A = tpu.sem_alloc : memref<!tpu.dma_semaphore, #tpu.memory_space<semaphore_mem>>
      %dma_start3A = tpu.memref_slice %arg9[%mul3A_2] : memref<10240xf32, #tpu.memory_space<vmem_shared>> -> memref<640xf32, #tpu.memory_space<vmem_shared>>
      %dma_start3A_149 = tpu.memref_slice %arg9[%mul3A_2] : memref<10240xf32, #tpu.memory_space<vmem_shared>> -> memref<640xf32, #tpu.memory_space<vmem_shared>>
      tpu.enqueue_dma source(%arg18 : memref<640xf32, #tpu.memory_space<vmem>>) target(%dma_start3A_149 : memref<640xf32, #tpu.memory_space<vmem_shared>>) target_semaphore(%run_scoped3A : memref<!tpu.dma_semaphore, #tpu.memory_space<semaphore_mem>>)
      %dma_wait3A = tpu.memref_slice %arg9[%mul3A_2] : memref<10240xf32, #tpu.memory_space<vmem_shared>> -> memref<640xf32, #tpu.memory_space<vmem_shared>>
      %dma_wait3A_150 = tpu.memref_slice %arg9[%mul3A_2] : memref<10240xf32, #tpu.memory_space<vmem_shared>> -> memref<640xf32, #tpu.memory_space<vmem_shared>>
      tpu.wait_dma2 semaphore(%run_scoped3A : memref<!tpu.dma_semaphore, #tpu.memory_space<semaphore_mem>>) src(%arg18 : memref<640xf32, #tpu.memory_space<vmem>>) dst(%dma_wait3A_150 : memref<640xf32, #tpu.memory_space<vmem_shared>>)
      tpu.yield
    }) : () -> ()
    %barrier3A = arith.constant 0 : index
    tpu.barrier barrier_id(%barrier3A)
    %scan3A_27 = arith.constant 0 : i32
    %scan3A_28 = arith.constant 0 : i32
    %scan3A_29 = arith.constant 25 : i32
    %scan3A_30 = arith.addi %scan3A_28, %scan3A_29 : i32
    %scan3A_31 = arith.constant 1 : i32
    %scan3A_32 = scf.for %scan3A_149 = %scan3A_28 to %scan3A_30 step %scan3A_31 iter_args(%scan3A_150 = %scan3A_27) -> (i32)  : i32 {
      %mul3A_151 = arith.constant 800 : i32
      %mul3A_152 = arith.muli %scan3A_149, %mul3A_151 : i32
      %add3A_153 = arith.addi %mul3A_0, %mul3A_152 : i32
      "tpu.region"() ({
        %run_scoped3A = tpu.sem_alloc : memref<!tpu.dma_semaphore, #tpu.memory_space<semaphore_mem>>
        %dma_start3A = tpu.memref_slice %arg2[%add3A_153] : memref<320000xi32, #tpu.memory_space<hbm>> -> memref<800xi32, #tpu.memory_space<hbm>>
        %dma_start3A_155 = tpu.memref_slice %arg2[%add3A_153] : memref<320000xi32, #tpu.memory_space<hbm>> -> memref<800xi32, #tpu.memory_space<hbm>>
        tpu.enqueue_dma source(%dma_start3A_155 : memref<800xi32, #tpu.memory_space<hbm>>) target(%arg14 : memref<800xi32, #tpu.memory_space<vmem>>) target_semaphore(%run_scoped3A : memref<!tpu.dma_semaphore, #tpu.memory_space<semaphore_mem>>)
        %dma_wait3A = tpu.memref_slice %arg2[%add3A_153] : memref<320000xi32, #tpu.memory_space<hbm>> -> memref<800xi32, #tpu.memory_space<hbm>>
        %dma_wait3A_156 = tpu.memref_slice %arg2[%add3A_153] : memref<320000xi32, #tpu.memory_space<hbm>> -> memref<800xi32, #tpu.memory_space<hbm>>
        tpu.wait_dma2 semaphore(%run_scoped3A : memref<!tpu.dma_semaphore, #tpu.memory_space<semaphore_mem>>) src(%dma_wait3A_156 : memref<800xi32, #tpu.memory_space<hbm>>) dst(%arg14 : memref<800xi32, #tpu.memory_space<vmem>>)
        tpu.yield
      }) : () -> ()
      "tpu.region"() ({
        %run_scoped3A = tpu.sem_alloc : memref<!tpu.dma_semaphore, #tpu.memory_space<semaphore_mem>>
        %dma_start3A = tpu.memref_slice %arg3[%add3A_153] : memref<320000xi32, #tpu.memory_space<hbm>> -> memref<800xi32, #tpu.memory_space<hbm>>
        %dma_start3A_155 = tpu.memref_slice %arg3[%add3A_153] : memref<320000xi32, #tpu.memory_space<hbm>> -> memref<800xi32, #tpu.memory_space<hbm>>
        tpu.enqueue_dma source(%dma_start3A_155 : memref<800xi32, #tpu.memory_space<hbm>>) target(%arg15 : memref<800xi32, #tpu.memory_space<vmem>>) target_semaphore(%run_scoped3A : memref<!tpu.dma_semaphore, #tpu.memory_space<semaphore_mem>>)
        %dma_wait3A = tpu.memref_slice %arg3[%add3A_153] : memref<320000xi32, #tpu.memory_space<hbm>> -> memref<800xi32, #tpu.memory_space<hbm>>
        %dma_wait3A_156 = tpu.memref_slice %arg3[%add3A_153] : memref<320000xi32, #tpu.memory_space<hbm>> -> memref<800xi32, #tpu.memory_space<hbm>>
        tpu.wait_dma2 semaphore(%run_scoped3A : memref<!tpu.dma_semaphore, #tpu.memory_space<semaphore_mem>>) src(%dma_wait3A_156 : memref<800xi32, #tpu.memory_space<hbm>>) dst(%arg15 : memref<800xi32, #tpu.memory_space<vmem>>)
        tpu.yield
      }) : () -> ()
      "tpu.region"() ({
        %run_scoped3A = tpu.sem_alloc : memref<!tpu.dma_semaphore, #tpu.memory_space<semaphore_mem>>
        %dma_start3A = arith.constant 0 : i32
        %dma_start3A_155 = tpu.memref_slice %arg8[%dma_start3A] : memref<10240xf32, #tpu.memory_space<vmem_shared>> -> memref<10240xf32, #tpu.memory_space<vmem_shared>>
        tpu.enqueue_indirect_dma source(%arg17 : memref<800xf32, #tpu.memory_space<vmem>>) target(%dma_start3A_155 : memref<10240xf32, #tpu.memory_space<vmem_shared>>) offsets(%arg14 : memref<800xi32, #tpu.memory_space<vmem>>) semaphore(%run_scoped3A : memref<!tpu.dma_semaphore, #tpu.memory_space<semaphore_mem>>) {add = true}
        %dma_wait3A = arith.constant 0 : i32
        %dma_wait3A_156 = tpu.memref_slice %arg8[%dma_wait3A] : memref<10240xf32, #tpu.memory_space<vmem_shared>> -> memref<10240xf32, #tpu.memory_space<vmem_shared>>
        tpu.wait_indirect_dma semaphore(%run_scoped3A : memref<!tpu.dma_semaphore, #tpu.memory_space<semaphore_mem>>) src(%arg17 : memref<800xf32, #tpu.memory_space<vmem>>) dst(%dma_wait3A_156 : memref<10240xf32, #tpu.memory_space<vmem_shared>>)
        tpu.yield
      }) : () -> ()
      "tpu.region"() ({
        %run_scoped3A = tpu.sem_alloc : memref<!tpu.dma_semaphore, #tpu.memory_space<semaphore_mem>>
        %dma_start3A = arith.constant 0 : i32
        %dma_start3A_155 = tpu.memref_slice %arg9[%dma_start3A] : memref<10240xf32, #tpu.memory_space<vmem_shared>> -> memref<10240xf32, #tpu.memory_space<vmem_shared>>
        tpu.enqueue_indirect_dma source(%arg17 : memref<800xf32, #tpu.memory_space<vmem>>) target(%dma_start3A_155 : memref<10240xf32, #tpu.memory_space<vmem_shared>>) offsets(%arg15 : memref<800xi32, #tpu.memory_space<vmem>>) semaphore(%run_scoped3A : memref<!tpu.dma_semaphore, #tpu.memory_space<semaphore_mem>>) {add = true}
        %dma_wait3A = arith.constant 0 : i32
        %dma_wait3A_156 = tpu.memref_slice %arg9[%dma_wait3A] : memref<10240xf32, #tpu.memory_space<vmem_shared>> -> memref<10240xf32, #tpu.memory_space<vmem_shared>>
        tpu.wait_indirect_dma semaphore(%run_scoped3A : memref<!tpu.dma_semaphore, #tpu.memory_space<semaphore_mem>>) src(%arg17 : memref<800xf32, #tpu.memory_space<vmem>>) dst(%dma_wait3A_156 : memref<10240xf32, #tpu.memory_space<vmem_shared>>)
        tpu.yield
      }) : () -> ()
      %scan3A_154 = arith.constant 0 : i32
      scf.yield %scan3A_154 : i32
    }
    %scan3A_33 = arith.constant 25 : i32
    %barrier3A_34 = arith.constant 0 : index
    tpu.barrier barrier_id(%barrier3A_34)
    "tpu.region"() ({
      %run_scoped3A = tpu.sem_alloc : memref<!tpu.dma_semaphore, #tpu.memory_space<semaphore_mem>>
      %dma_start3A = tpu.memref_slice %arg8[%mul3A_2] : memref<10240xf32, #tpu.memory_space<vmem_shared>> -> memref<640xf32, #tpu.memory_space<vmem_shared>>
      %dma_start3A_149 = tpu.memref_slice %arg8[%mul3A_2] : memref<10240xf32, #tpu.memory_space<vmem_shared>> -> memref<640xf32, #tpu.memory_space<vmem_shared>>
      tpu.enqueue_dma source(%dma_start3A_149 : memref<640xf32, #tpu.memory_space<vmem_shared>>) target(%arg25 : memref<640xf32, #tpu.memory_space<vmem>>) target_semaphore(%run_scoped3A : memref<!tpu.dma_semaphore, #tpu.memory_space<semaphore_mem>>)
      %dma_wait3A = tpu.memref_slice %arg8[%mul3A_2] : memref<10240xf32, #tpu.memory_space<vmem_shared>> -> memref<640xf32, #tpu.memory_space<vmem_shared>>
      %dma_wait3A_150 = tpu.memref_slice %arg8[%mul3A_2] : memref<10240xf32, #tpu.memory_space<vmem_shared>> -> memref<640xf32, #tpu.memory_space<vmem_shared>>
      tpu.wait_dma2 semaphore(%run_scoped3A : memref<!tpu.dma_semaphore, #tpu.memory_space<semaphore_mem>>) src(%dma_wait3A_150 : memref<640xf32, #tpu.memory_space<vmem_shared>>) dst(%arg25 : memref<640xf32, #tpu.memory_space<vmem>>)
      tpu.yield
    }) : () -> ()
    "tpu.region"() ({
      %run_scoped3A = tpu.sem_alloc : memref<!tpu.dma_semaphore, #tpu.memory_space<semaphore_mem>>
      %dma_start3A = tpu.memref_slice %arg9[%mul3A_2] : memref<10240xf32, #tpu.memory_space<vmem_shared>> -> memref<640xf32, #tpu.memory_space<vmem_shared>>
      %dma_start3A_149 = tpu.memref_slice %arg9[%mul3A_2] : memref<10240xf32, #tpu.memory_space<vmem_shared>> -> memref<640xf32, #tpu.memory_space<vmem_shared>>
      tpu.enqueue_dma source(%dma_start3A_149 : memref<640xf32, #tpu.memory_space<vmem_shared>>) target(%arg26 : memref<640xf32, #tpu.memory_space<vmem>>) target_semaphore(%run_scoped3A : memref<!tpu.dma_semaphore, #tpu.memory_space<semaphore_mem>>)
      %dma_wait3A = tpu.memref_slice %arg9[%mul3A_2] : memref<10240xf32, #tpu.memory_space<vmem_shared>> -> memref<640xf32, #tpu.memory_space<vmem_shared>>
      %dma_wait3A_150 = tpu.memref_slice %arg9[%mul3A_2] : memref<10240xf32, #tpu.memory_space<vmem_shared>> -> memref<640xf32, #tpu.memory_space<vmem_shared>>
      tpu.wait_dma2 semaphore(%run_scoped3A : memref<!tpu.dma_semaphore, #tpu.memory_space<semaphore_mem>>) src(%dma_wait3A_150 : memref<640xf32, #tpu.memory_space<vmem_shared>>) dst(%arg26 : memref<640xf32, #tpu.memory_space<vmem>>)
      tpu.yield
    }) : () -> ()
    %scan3A_35 = arith.constant 0 : i32
    %scan3A_36 = arith.constant 0 : i32
    %scan3A_37 = arith.constant 40 : i32
    %scan3A_38 = arith.addi %scan3A_36, %scan3A_37 : i32
    %scan3A_39 = arith.constant 1 : i32
    %scan3A_40 = scf.for %scan3A_149 = %scan3A_36 to %scan3A_38 step %scan3A_39 iter_args(%scan3A_150 = %scan3A_35) -> (i32)  : i32 {
      %mul3A_151 = arith.constant 16 : i32
      %mul3A_152 = arith.muli %scan3A_149, %mul3A_151 : i32
      %get3A_153 = arith.index_cast %mul3A_152 : i32 to index
      %get3A_154 = tpu.vector_load %arg25[%get3A_153] {strides = array<i32>} : memref<640xf32, #tpu.memory_space<vmem>>, vector<16xf32>,
      %max3A = arith.constant 1.000000e+00 : f32
      %max3A_155 = vector.broadcast %max3A : f32 to vector<16xf32>
      %max3A_156 = arith.maximumf %get3A_154, %max3A_155 : vector<16xf32>
      %broadcast_in_dim3A = arith.constant 1597463007 : i32
      %broadcast_in_dim3A_157 = vector.broadcast %broadcast_in_dim3A : i32 to vector<16xi32>
      %bitcast3A = vector.bitcast %max3A_156 : vector<16xf32> to vector<16xi32>
      %shift_right_logical3A = arith.constant 1 : i32
      %shift_right_logical3A_158 = vector.broadcast %shift_right_logical3A : i32 to vector<16xi32>
      %shift_right_logical3A_159 = arith.shrui %bitcast3A, %shift_right_logical3A_158 : vector<16xi32>
      %sub3A = arith.subi %broadcast_in_dim3A_157, %shift_right_logical3A_159 : vector<16xi32>
      %bitcast3A_160 = vector.bitcast %sub3A : vector<16xi32> to vector<16xf32>
      %mul3A_161 = arith.constant 5.000000e-01 : f32
      %mul3A_162 = vector.broadcast %mul3A_161 : f32 to vector<16xf32>
      %mul3A_163 = arith.mulf %mul3A_162, %max3A_156 : vector<16xf32>
      %mul3A_164 = arith.mulf %mul3A_163, %bitcast3A_160 : vector<16xf32>
      %mul3A_165 = arith.mulf %mul3A_164, %bitcast3A_160 : vector<16xf32>
      %sub3A_166 = arith.constant 1.500000e+00 : f32
      %sub3A_167 = vector.broadcast %sub3A_166 : f32 to vector<16xf32>
      %sub3A_168 = arith.subf %sub3A_167, %mul3A_165 : vector<16xf32>
      %mul3A_169 = arith.mulf %bitcast3A_160, %sub3A_168 : vector<16xf32>
      %mul3A_170 = arith.constant 5.000000e-01 : f32
      %mul3A_171 = vector.broadcast %mul3A_170 : f32 to vector<16xf32>
      %mul3A_172 = arith.mulf %mul3A_171, %max3A_156 : vector<16xf32>
      %mul3A_173 = arith.mulf %mul3A_172, %mul3A_169 : vector<16xf32>
      %mul3A_174 = arith.mulf %mul3A_173, %mul3A_169 : vector<16xf32>
      %sub3A_175 = arith.constant 1.500000e+00 : f32
      %sub3A_176 = vector.broadcast %sub3A_175 : f32 to vector<16xf32>
      %sub3A_177 = arith.subf %sub3A_176, %mul3A_174 : vector<16xf32>
      %mul3A_178 = arith.mulf %mul3A_169, %sub3A_177 : vector<16xf32>
      %mul3A_179 = arith.constant 5.000000e-01 : f32
      %mul3A_180 = vector.broadcast %mul3A_179 : f32 to vector<16xf32>
      %mul3A_181 = arith.mulf %mul3A_180, %max3A_156 : vector<16xf32>
      %mul3A_182 = arith.mulf %mul3A_181, %mul3A_178 : vector<16xf32>
      %mul3A_183 = arith.mulf %mul3A_182, %mul3A_178 : vector<16xf32>
      %sub3A_184 = arith.constant 1.500000e+00 : f32
      %sub3A_185 = vector.broadcast %sub3A_184 : f32 to vector<16xf32>
      %sub3A_186 = arith.subf %sub3A_185, %mul3A_183 : vector<16xf32>
      %mul3A_187 = arith.mulf %mul3A_178, %sub3A_186 : vector<16xf32>
      %swap3A = arith.index_cast %mul3A_152 : i32 to index
      %swap3A_188 = tpu.vector_load %arg25[%swap3A] {strides = array<i32>} : memref<640xf32, #tpu.memory_space<vmem>>, vector<16xf32>,
      tpu.vector_store %arg25[%swap3A], %mul3A_187 {strides = array<i32>} : memref<640xf32, #tpu.memory_space<vmem>>, vector<16xf32>,
      %scan3A_189 = arith.constant 0 : i32
      scf.yield %scan3A_189 : i32
    }
    %scan3A_41 = arith.constant 40 : i32
    %scan3A_42 = arith.constant 0 : i32
    %scan3A_43 = arith.constant 0 : i32
    %scan3A_44 = arith.constant 40 : i32
    %scan3A_45 = arith.addi %scan3A_43, %scan3A_44 : i32
    %scan3A_46 = arith.constant 1 : i32
    %scan3A_47 = scf.for %scan3A_149 = %scan3A_43 to %scan3A_45 step %scan3A_46 iter_args(%scan3A_150 = %scan3A_42) -> (i32)  : i32 {
      %mul3A_151 = arith.constant 16 : i32
      %mul3A_152 = arith.muli %scan3A_149, %mul3A_151 : i32
      %get3A_153 = arith.index_cast %mul3A_152 : i32 to index
      %get3A_154 = tpu.vector_load %arg26[%get3A_153] {strides = array<i32>} : memref<640xf32, #tpu.memory_space<vmem>>, vector<16xf32>,
      %max3A = arith.constant 1.000000e+00 : f32
      %max3A_155 = vector.broadcast %max3A : f32 to vector<16xf32>
      %max3A_156 = arith.maximumf %get3A_154, %max3A_155 : vector<16xf32>
      %broadcast_in_dim3A = arith.constant 1597463007 : i32
      %broadcast_in_dim3A_157 = vector.broadcast %broadcast_in_dim3A : i32 to vector<16xi32>
      %bitcast3A = vector.bitcast %max3A_156 : vector<16xf32> to vector<16xi32>
      %shift_right_logical3A = arith.constant 1 : i32
      %shift_right_logical3A_158 = vector.broadcast %shift_right_logical3A : i32 to vector<16xi32>
      %shift_right_logical3A_159 = arith.shrui %bitcast3A, %shift_right_logical3A_158 : vector<16xi32>
      %sub3A = arith.subi %broadcast_in_dim3A_157, %shift_right_logical3A_159 : vector<16xi32>
      %bitcast3A_160 = vector.bitcast %sub3A : vector<16xi32> to vector<16xf32>
      %mul3A_161 = arith.constant 5.000000e-01 : f32
      %mul3A_162 = vector.broadcast %mul3A_161 : f32 to vector<16xf32>
      %mul3A_163 = arith.mulf %mul3A_162, %max3A_156 : vector<16xf32>
      %mul3A_164 = arith.mulf %mul3A_163, %bitcast3A_160 : vector<16xf32>
      %mul3A_165 = arith.mulf %mul3A_164, %bitcast3A_160 : vector<16xf32>
      %sub3A_166 = arith.constant 1.500000e+00 : f32
      %sub3A_167 = vector.broadcast %sub3A_166 : f32 to vector<16xf32>
      %sub3A_168 = arith.subf %sub3A_167, %mul3A_165 : vector<16xf32>
      %mul3A_169 = arith.mulf %bitcast3A_160, %sub3A_168 : vector<16xf32>
      %mul3A_170 = arith.constant 5.000000e-01 : f32
      %mul3A_171 = vector.broadcast %mul3A_170 : f32 to vector<16xf32>
      %mul3A_172 = arith.mulf %mul3A_171, %max3A_156 : vector<16xf32>
      %mul3A_173 = arith.mulf %mul3A_172, %mul3A_169 : vector<16xf32>
      %mul3A_174 = arith.mulf %mul3A_173, %mul3A_169 : vector<16xf32>
      %sub3A_175 = arith.constant 1.500000e+00 : f32
      %sub3A_176 = vector.broadcast %sub3A_175 : f32 to vector<16xf32>
      %sub3A_177 = arith.subf %sub3A_176, %mul3A_174 : vector<16xf32>
      %mul3A_178 = arith.mulf %mul3A_169, %sub3A_177 : vector<16xf32>
      %mul3A_179 = arith.constant 5.000000e-01 : f32
      %mul3A_180 = vector.broadcast %mul3A_179 : f32 to vector<16xf32>
      %mul3A_181 = arith.mulf %mul3A_180, %max3A_156 : vector<16xf32>
      %mul3A_182 = arith.mulf %mul3A_181, %mul3A_178 : vector<16xf32>
      %mul3A_183 = arith.mulf %mul3A_182, %mul3A_178 : vector<16xf32>
      %sub3A_184 = arith.constant 1.500000e+00 : f32
      %sub3A_185 = vector.broadcast %sub3A_184 : f32 to vector<16xf32>
      %sub3A_186 = arith.subf %sub3A_185, %mul3A_183 : vector<16xf32>
      %mul3A_187 = arith.mulf %mul3A_178, %sub3A_186 : vector<16xf32>
      %swap3A = arith.index_cast %mul3A_152 : i32 to index
      %swap3A_188 = tpu.vector_load %arg26[%swap3A] {strides = array<i32>} : memref<640xf32, #tpu.memory_space<vmem>>, vector<16xf32>,
      tpu.vector_store %arg26[%swap3A], %mul3A_187 {strides = array<i32>} : memref<640xf32, #tpu.memory_space<vmem>>, vector<16xf32>,
      %scan3A_189 = arith.constant 0 : i32
      scf.yield %scan3A_189 : i32
    }
    %scan3A_48 = arith.constant 40 : i32
    %scan3A_49 = arith.constant 0 : i32
    %scan3A_50 = arith.constant 0 : i32
    %scan3A_51 = arith.constant 640 : i32
    %scan3A_52 = arith.addi %scan3A_50, %scan3A_51 : i32
    %scan3A_53 = arith.constant 1 : i32
    %scan3A_54 = scf.for %scan3A_149 = %scan3A_50 to %scan3A_52 step %scan3A_53 iter_args(%scan3A_150 = %scan3A_49) -> (i32)  : i32 {
      %broadcast_in_dim3A = vector.broadcast %scan3A_149 : i32 to vector<16xi32>
      %gather3A = tpu.vector_load_idx %arg25[%broadcast_in_dim3A] : memref<640xf32, #tpu.memory_space<vmem>>[vector<16xi32>], vector<16xf32>,
      %gather3A_151 = tpu.vector_load_idx %arg26[%broadcast_in_dim3A] : memref<640xf32, #tpu.memory_space<vmem>>[vector<16xi32>], vector<16xf32>,
      %swap3A = arith.index_cast %scan3A_149 : i32 to index
      %swap3A_152 = arith.constant 0 : index
      %swap3A_153 = tpu.vector_load %arg23[%swap3A, %swap3A_152] {strides = array<i32>} : memref<640x16xf32, #tpu.memory_space<vmem>>, vector<16xf32>,
      tpu.vector_store %arg23[%swap3A, %swap3A_152], %gather3A {strides = array<i32>} : memref<640x16xf32, #tpu.memory_space<vmem>>, vector<16xf32>,
      %swap3A_154 = arith.index_cast %scan3A_149 : i32 to index
      %swap3A_155 = arith.constant 0 : index
      %swap3A_156 = tpu.vector_load %arg24[%swap3A_154, %swap3A_155] {strides = array<i32>} : memref<640x16xf32, #tpu.memory_space<vmem>>, vector<16xf32>,
      tpu.vector_store %arg24[%swap3A_154, %swap3A_155], %gather3A_151 {strides = array<i32>} : memref<640x16xf32, #tpu.memory_space<vmem>>, vector<16xf32>,
      %scan3A_157 = arith.constant 0 : i32
      scf.yield %scan3A_157 : i32
    }
    %scan3A_55 = arith.constant 640 : i32
    %get3A = arith.constant 0 : i32
    %get3A_56 = arith.index_cast %get3A : i32 to index
    %get3A_57 = arith.constant 0 : index
    %get3A_58 = tpu.vector_load %arg27[%get3A_56, %get3A_57] {strides = array<i32>} : memref<4x16xf32, #tpu.memory_space<vmem>>, vector<16xf32>,
    %get3A_59 = arith.constant 1 : i32
    %get3A_60 = arith.index_cast %get3A_59 : i32 to index
    %get3A_61 = arith.constant 0 : index
    %get3A_62 = tpu.vector_load %arg27[%get3A_60, %get3A_61] {strides = array<i32>} : memref<4x16xf32, #tpu.memory_space<vmem>>, vector<16xf32>,
    %get3A_63 = arith.constant 2 : i32
    %get3A_64 = arith.index_cast %get3A_63 : i32 to index
    %get3A_65 = arith.constant 0 : index
    %get3A_66 = tpu.vector_load %arg27[%get3A_64, %get3A_65] {strides = array<i32>} : memref<4x16xf32, #tpu.memory_space<vmem>>, vector<16xf32>,
    %get3A_67 = arith.constant 3 : i32
    %get3A_68 = arith.index_cast %get3A_67 : i32 to index
    %get3A_69 = arith.constant 0 : index
    %get3A_70 = tpu.vector_load %arg27[%get3A_68, %get3A_69] {strides = array<i32>} : memref<4x16xf32, #tpu.memory_space<vmem>>, vector<16xf32>,
    "tpu.region"() ({
      %run_scoped3A = tpu.sem_alloc : memref<!tpu.dma_semaphore, #tpu.memory_space<semaphore_mem>>
      %dma_start3A = arith.constant 0 : i32
      %dma_start3A_149 = tpu.memref_slice %arg4[%mul3A_2, %dma_start3A] : memref<10240x16xf32, #tpu.memory_space<hbm>> -> memref<640x16xf32, #tpu.memory_space<hbm>>
      %dma_start3A_150 = arith.constant 0 : i32
      %dma_start3A_151 = tpu.memref_slice %arg4[%mul3A_2, %dma_start3A_150] : memref<10240x16xf32, #tpu.memory_space<hbm>> -> memref<640x16xf32, #tpu.memory_space<hbm>>
      tpu.enqueue_dma source(%dma_start3A_151 : memref<640x16xf32, #tpu.memory_space<hbm>>) target(%arg20 : memref<640x16xf32, #tpu.memory_space<vmem>>) target_semaphore(%run_scoped3A : memref<!tpu.dma_semaphore, #tpu.memory_space<semaphore_mem>>)
      %dma_wait3A = arith.constant 0 : i32
      %dma_wait3A_152 = tpu.memref_slice %arg4[%mul3A_2, %dma_wait3A] : memref<10240x16xf32, #tpu.memory_space<hbm>> -> memref<640x16xf32, #tpu.memory_space<hbm>>
      %dma_wait3A_153 = arith.constant 0 : i32
      %dma_wait3A_154 = tpu.memref_slice %arg4[%mul3A_2, %dma_wait3A_153] : memref<10240x16xf32, #tpu.memory_space<hbm>> -> memref<640x16xf32, #tpu.memory_space<hbm>>
      tpu.wait_dma2 semaphore(%run_scoped3A : memref<!tpu.dma_semaphore, #tpu.memory_space<semaphore_mem>>) src(%dma_wait3A_154 : memref<640x16xf32, #tpu.memory_space<hbm>>) dst(%arg20 : memref<640x16xf32, #tpu.memory_space<vmem>>)
      tpu.yield
    }) : () -> ()
    %scan3A_71 = arith.constant 0 : i32
    %scan3A_72 = arith.constant 0 : i32
    %scan3A_73 = arith.constant 640 : i32
    %scan3A_74 = arith.addi %scan3A_72, %scan3A_73 : i32
    %scan3A_75 = arith.constant 1 : i32
    %scan3A_76 = scf.for %scan3A_149 = %scan3A_72 to %scan3A_74 step %scan3A_75 iter_args(%scan3A_150 = %scan3A_71) -> (i32)  : i32 {
      %get3A_151 = arith.index_cast %scan3A_149 : i32 to index
      %get3A_152 = arith.constant 0 : index
      %get3A_153 = tpu.vector_load %arg20[%get3A_151, %get3A_152] {strides = array<i32>} : memref<640x16xf32, #tpu.memory_space<vmem>>, vector<16xf32>,
      %get3A_154 = arith.index_cast %scan3A_149 : i32 to index
      %get3A_155 = arith.constant 0 : index
      %get3A_156 = tpu.vector_load %arg24[%get3A_154, %get3A_155] {strides = array<i32>} : memref<640x16xf32, #tpu.memory_space<vmem>>, vector<16xf32>,
      %mul3A_157 = arith.mulf %get3A_153, %get3A_156 : vector<16xf32>
      %swap3A = arith.index_cast %scan3A_149 : i32 to index
      %swap3A_158 = arith.constant 0 : index
      %swap3A_159 = tpu.vector_load %arg20[%swap3A, %swap3A_158] {strides = array<i32>} : memref<640x16xf32, #tpu.memory_space<vmem>>, vector<16xf32>,
      tpu.vector_store %arg20[%swap3A, %swap3A_158], %mul3A_157 {strides = array<i32>} : memref<640x16xf32, #tpu.memory_space<vmem>>, vector<16xf32>,
      %scan3A_160 = arith.constant 0 : i32
      scf.yield %scan3A_160 : i32
    }
    %scan3A_77 = arith.constant 640 : i32
    "tpu.region"() ({
      %run_scoped3A = tpu.sem_alloc : memref<!tpu.dma_semaphore, #tpu.memory_space<semaphore_mem>>
      %dma_start3A = arith.constant 0 : i32
      %dma_start3A_149 = tpu.memref_slice %arg10[%mul3A_2, %dma_start3A] : memref<10240x16xf32, #tpu.memory_space<vmem_shared>> -> memref<640x16xf32, #tpu.memory_space<vmem_shared>>
      %dma_start3A_150 = arith.constant 0 : i32
      %dma_start3A_151 = tpu.memref_slice %arg10[%mul3A_2, %dma_start3A_150] : memref<10240x16xf32, #tpu.memory_space<vmem_shared>> -> memref<640x16xf32, #tpu.memory_space<vmem_shared>>
      tpu.enqueue_dma source(%arg20 : memref<640x16xf32, #tpu.memory_space<vmem>>) target(%dma_start3A_151 : memref<640x16xf32, #tpu.memory_space<vmem_shared>>) target_semaphore(%run_scoped3A : memref<!tpu.dma_semaphore, #tpu.memory_space<semaphore_mem>>)
      %dma_wait3A = arith.constant 0 : i32
      %dma_wait3A_152 = tpu.memref_slice %arg10[%mul3A_2, %dma_wait3A] : memref<10240x16xf32, #tpu.memory_space<vmem_shared>> -> memref<640x16xf32, #tpu.memory_space<vmem_shared>>
      %dma_wait3A_153 = arith.constant 0 : i32
      %dma_wait3A_154 = tpu.memref_slice %arg10[%mul3A_2, %dma_wait3A_153] : memref<10240x16xf32, #tpu.memory_space<vmem_shared>> -> memref<640x16xf32, #tpu.memory_space<vmem_shared>>
      tpu.wait_dma2 semaphore(%run_scoped3A : memref<!tpu.dma_semaphore, #tpu.memory_space<semaphore_mem>>) src(%arg20 : memref<640x16xf32, #tpu.memory_space<vmem>>) dst(%dma_wait3A_154 : memref<640x16xf32, #tpu.memory_space<vmem_shared>>)
      tpu.yield
    }) : () -> ()
    "tpu.region"() ({
      %run_scoped3A = tpu.sem_alloc : memref<!tpu.dma_semaphore, #tpu.memory_space<semaphore_mem>>
      %dma_start3A = arith.constant 0 : i32
      %dma_start3A_149 = tpu.memref_slice %arg11[%mul3A_2, %dma_start3A] : memref<10240x16xf32, #tpu.memory_space<vmem_shared>> -> memref<640x16xf32, #tpu.memory_space<vmem_shared>>
      %dma_start3A_150 = arith.constant 0 : i32
      %dma_start3A_151 = tpu.memref_slice %arg11[%mul3A_2, %dma_start3A_150] : memref<10240x16xf32, #tpu.memory_space<vmem_shared>> -> memref<640x16xf32, #tpu.memory_space<vmem_shared>>
      tpu.enqueue_dma source(%arg19 : memref<640x16xf32, #tpu.memory_space<vmem>>) target(%dma_start3A_151 : memref<640x16xf32, #tpu.memory_space<vmem_shared>>) target_semaphore(%run_scoped3A : memref<!tpu.dma_semaphore, #tpu.memory_space<semaphore_mem>>)
      %dma_wait3A = arith.constant 0 : i32
      %dma_wait3A_152 = tpu.memref_slice %arg11[%mul3A_2, %dma_wait3A] : memref<10240x16xf32, #tpu.memory_space<vmem_shared>> -> memref<640x16xf32, #tpu.memory_space<vmem_shared>>
      %dma_wait3A_153 = arith.constant 0 : i32
      %dma_wait3A_154 = tpu.memref_slice %arg11[%mul3A_2, %dma_wait3A_153] : memref<10240x16xf32, #tpu.memory_space<vmem_shared>> -> memref<640x16xf32, #tpu.memory_space<vmem_shared>>
      tpu.wait_dma2 semaphore(%run_scoped3A : memref<!tpu.dma_semaphore, #tpu.memory_space<semaphore_mem>>) src(%arg19 : memref<640x16xf32, #tpu.memory_space<vmem>>) dst(%dma_wait3A_154 : memref<640x16xf32, #tpu.memory_space<vmem_shared>>)
      tpu.yield
    }) : () -> ()
    %barrier3A_78 = arith.constant 0 : index
    tpu.barrier barrier_id(%barrier3A_78)
    %scan3A_79 = arith.constant 0 : i32
    %scan3A_80 = arith.constant 0 : i32
    %scan3A_81 = arith.constant 25 : i32
    %scan3A_82 = arith.addi %scan3A_80, %scan3A_81 : i32
    %scan3A_83 = arith.constant 1 : i32
    %scan3A_84 = scf.for %scan3A_149 = %scan3A_80 to %scan3A_82 step %scan3A_83 iter_args(%scan3A_150 = %scan3A_79) -> (i32)  : i32 {
      %mul3A_151 = arith.constant 800 : i32
      %mul3A_152 = arith.muli %scan3A_149, %mul3A_151 : i32
      %add3A_153 = arith.addi %mul3A_0, %mul3A_152 : i32
      "tpu.region"() ({
        %run_scoped3A = tpu.sem_alloc : memref<!tpu.dma_semaphore, #tpu.memory_space<semaphore_mem>>
        %dma_start3A = tpu.memref_slice %arg3[%add3A_153] : memref<320000xi32, #tpu.memory_space<hbm>> -> memref<800xi32, #tpu.memory_space<hbm>>
        %dma_start3A_155 = tpu.memref_slice %arg3[%add3A_153] : memref<320000xi32, #tpu.memory_space<hbm>> -> memref<800xi32, #tpu.memory_space<hbm>>
        tpu.enqueue_dma source(%dma_start3A_155 : memref<800xi32, #tpu.memory_space<hbm>>) target(%arg15 : memref<800xi32, #tpu.memory_space<vmem>>) target_semaphore(%run_scoped3A : memref<!tpu.dma_semaphore, #tpu.memory_space<semaphore_mem>>)
        %dma_wait3A = tpu.memref_slice %arg3[%add3A_153] : memref<320000xi32, #tpu.memory_space<hbm>> -> memref<800xi32, #tpu.memory_space<hbm>>
        %dma_wait3A_156 = tpu.memref_slice %arg3[%add3A_153] : memref<320000xi32, #tpu.memory_space<hbm>> -> memref<800xi32, #tpu.memory_space<hbm>>
        tpu.wait_dma2 semaphore(%run_scoped3A : memref<!tpu.dma_semaphore, #tpu.memory_space<semaphore_mem>>) src(%dma_wait3A_156 : memref<800xi32, #tpu.memory_space<hbm>>) dst(%arg15 : memref<800xi32, #tpu.memory_space<vmem>>)
        tpu.yield
      }) : () -> ()
      "tpu.region"() ({
        %run_scoped3A = tpu.sem_alloc : memref<!tpu.dma_semaphore, #tpu.memory_space<semaphore_mem>>
        %dma_start3A = arith.constant 0 : i32
        %dma_start3A_155 = arith.constant 0 : i32
        %dma_start3A_156 = tpu.memref_slice %arg10[%dma_start3A, %dma_start3A_155] : memref<10240x16xf32, #tpu.memory_space<vmem_shared>> -> memref<10240x16xf32, #tpu.memory_space<vmem_shared>>
        tpu.enqueue_indirect_dma source(%dma_start3A_156 : memref<10240x16xf32, #tpu.memory_space<vmem_shared>>) target(%arg16 : memref<800x16xf32, #tpu.memory_space<vmem>>) offsets(%arg15 : memref<800xi32, #tpu.memory_space<vmem>>) semaphore(%run_scoped3A : memref<!tpu.dma_semaphore, #tpu.memory_space<semaphore_mem>>)
        %dma_wait3A = arith.constant 0 : i32
        %dma_wait3A_157 = arith.constant 0 : i32
        %dma_wait3A_158 = tpu.memref_slice %arg10[%dma_wait3A, %dma_wait3A_157] : memref<10240x16xf32, #tpu.memory_space<vmem_shared>> -> memref<10240x16xf32, #tpu.memory_space<vmem_shared>>
        tpu.wait_indirect_dma semaphore(%run_scoped3A : memref<!tpu.dma_semaphore, #tpu.memory_space<semaphore_mem>>) src(%dma_wait3A_158 : memref<10240x16xf32, #tpu.memory_space<vmem_shared>>) dst(%arg16 : memref<800x16xf32, #tpu.memory_space<vmem>>)
        tpu.yield
      }) : () -> ()
      "tpu.region"() ({
        %run_scoped3A = tpu.sem_alloc : memref<!tpu.dma_semaphore, #tpu.memory_space<semaphore_mem>>
        %dma_start3A = tpu.memref_slice %arg2[%add3A_153] : memref<320000xi32, #tpu.memory_space<hbm>> -> memref<800xi32, #tpu.memory_space<hbm>>
        %dma_start3A_155 = tpu.memref_slice %arg2[%add3A_153] : memref<320000xi32, #tpu.memory_space<hbm>> -> memref<800xi32, #tpu.memory_space<hbm>>
        tpu.enqueue_dma source(%dma_start3A_155 : memref<800xi32, #tpu.memory_space<hbm>>) target(%arg14 : memref<800xi32, #tpu.memory_space<vmem>>) target_semaphore(%run_scoped3A : memref<!tpu.dma_semaphore, #tpu.memory_space<semaphore_mem>>)
        %dma_wait3A = tpu.memref_slice %arg2[%add3A_153] : memref<320000xi32, #tpu.memory_space<hbm>> -> memref<800xi32, #tpu.memory_space<hbm>>
        %dma_wait3A_156 = tpu.memref_slice %arg2[%add3A_153] : memref<320000xi32, #tpu.memory_space<hbm>> -> memref<800xi32, #tpu.memory_space<hbm>>
        tpu.wait_dma2 semaphore(%run_scoped3A : memref<!tpu.dma_semaphore, #tpu.memory_space<semaphore_mem>>) src(%dma_wait3A_156 : memref<800xi32, #tpu.memory_space<hbm>>) dst(%arg14 : memref<800xi32, #tpu.memory_space<vmem>>)
        tpu.yield
      }) : () -> ()
      "tpu.region"() ({
        %run_scoped3A = tpu.sem_alloc : memref<!tpu.dma_semaphore, #tpu.memory_space<semaphore_mem>>
        %dma_start3A = arith.constant 0 : i32
        %dma_start3A_155 = arith.constant 0 : i32
        %dma_start3A_156 = tpu.memref_slice %arg11[%dma_start3A, %dma_start3A_155] : memref<10240x16xf32, #tpu.memory_space<vmem_shared>> -> memref<10240x16xf32, #tpu.memory_space<vmem_shared>>
        tpu.enqueue_indirect_dma source(%arg16 : memref<800x16xf32, #tpu.memory_space<vmem>>) target(%dma_start3A_156 : memref<10240x16xf32, #tpu.memory_space<vmem_shared>>) offsets(%arg14 : memref<800xi32, #tpu.memory_space<vmem>>) semaphore(%run_scoped3A : memref<!tpu.dma_semaphore, #tpu.memory_space<semaphore_mem>>) {add = true}
        %dma_wait3A = arith.constant 0 : i32
        %dma_wait3A_157 = arith.constant 0 : i32
        %dma_wait3A_158 = tpu.memref_slice %arg11[%dma_wait3A, %dma_wait3A_157] : memref<10240x16xf32, #tpu.memory_space<vmem_shared>> -> memref<10240x16xf32, #tpu.memory_space<vmem_shared>>
        tpu.wait_indirect_dma semaphore(%run_scoped3A : memref<!tpu.dma_semaphore, #tpu.memory_space<semaphore_mem>>) src(%arg16 : memref<800x16xf32, #tpu.memory_space<vmem>>) dst(%dma_wait3A_158 : memref<10240x16xf32, #tpu.memory_space<vmem_shared>>)
        tpu.yield
      }) : () -> ()
      %scan3A_154 = arith.constant 0 : i32
      scf.yield %scan3A_154 : i32
    }
    %scan3A_85 = arith.constant 25 : i32
    %barrier3A_86 = arith.constant 0 : index
    tpu.barrier barrier_id(%barrier3A_86)
    "tpu.region"() ({
      %run_scoped3A = tpu.sem_alloc : memref<!tpu.dma_semaphore, #tpu.memory_space<semaphore_mem>>
      %dma_start3A = arith.constant 0 : i32
      %dma_start3A_149 = tpu.memref_slice %arg11[%mul3A_2, %dma_start3A] : memref<10240x16xf32, #tpu.memory_space<vmem_shared>> -> memref<640x16xf32, #tpu.memory_space<vmem_shared>>
      %dma_start3A_150 = arith.constant 0 : i32
      %dma_start3A_151 = tpu.memref_slice %arg11[%mul3A_2, %dma_start3A_150] : memref<10240x16xf32, #tpu.memory_space<vmem_shared>> -> memref<640x16xf32, #tpu.memory_space<vmem_shared>>
      tpu.enqueue_dma source(%dma_start3A_151 : memref<640x16xf32, #tpu.memory_space<vmem_shared>>) target(%arg20 : memref<640x16xf32, #tpu.memory_space<vmem>>) target_semaphore(%run_scoped3A : memref<!tpu.dma_semaphore, #tpu.memory_space<semaphore_mem>>)
      %dma_wait3A = arith.constant 0 : i32
      %dma_wait3A_152 = tpu.memref_slice %arg11[%mul3A_2, %dma_wait3A] : memref<10240x16xf32, #tpu.memory_space<vmem_shared>> -> memref<640x16xf32, #tpu.memory_space<vmem_shared>>
      %dma_wait3A_153 = arith.constant 0 : i32
      %dma_wait3A_154 = tpu.memref_slice %arg11[%mul3A_2, %dma_wait3A_153] : memref<10240x16xf32, #tpu.memory_space<vmem_shared>> -> memref<640x16xf32, #tpu.memory_space<vmem_shared>>
      tpu.wait_dma2 semaphore(%run_scoped3A : memref<!tpu.dma_semaphore, #tpu.memory_space<semaphore_mem>>) src(%dma_wait3A_154 : memref<640x16xf32, #tpu.memory_space<vmem_shared>>) dst(%arg20 : memref<640x16xf32, #tpu.memory_space<vmem>>)
      tpu.yield
    }) : () -> ()
    %scan3A_87 = arith.constant 0 : i32
    %scan3A_88 = arith.constant 0 : i32
    %scan3A_89 = arith.constant 640 : i32
    %scan3A_90 = arith.addi %scan3A_88, %scan3A_89 : i32
    %scan3A_91 = arith.constant 1 : i32
    %scan3A_92 = scf.for %scan3A_149 = %scan3A_88 to %scan3A_90 step %scan3A_91 iter_args(%scan3A_150 = %scan3A_87) -> (i32)  : i32 {
      %get3A_151 = arith.index_cast %scan3A_149 : i32 to index
      %get3A_152 = arith.constant 0 : index
      %get3A_153 = tpu.vector_load %arg23[%get3A_151, %get3A_152] {strides = array<i32>} : memref<640x16xf32, #tpu.memory_space<vmem>>, vector<16xf32>,
      %get3A_154 = arith.index_cast %scan3A_149 : i32 to index
      %get3A_155 = arith.constant 0 : index
      %get3A_156 = tpu.vector_load %arg24[%get3A_154, %get3A_155] {strides = array<i32>} : memref<640x16xf32, #tpu.memory_space<vmem>>, vector<16xf32>,
      %mul3A_157 = arith.mulf %get3A_153, %get3A_156 : vector<16xf32>
      %get3A_158 = arith.index_cast %scan3A_149 : i32 to index
      %get3A_159 = arith.constant 0 : index
      %get3A_160 = tpu.vector_load %arg20[%get3A_158, %get3A_159] {strides = array<i32>} : memref<640x16xf32, #tpu.memory_space<vmem>>, vector<16xf32>,
      %lt3A = arith.constant 0 : i32
      %lt3A_161 = vector.broadcast %lt3A : i32 to vector<16xi32>
      %lt3A_162 = arith.cmpi slt, %and3A_6, %lt3A_161 : vector<16xi32>
      %add3A_163 = arith.constant 16 : i32
      %add3A_164 = vector.broadcast %add3A_163 : i32 to vector<16xi32>
      %add3A_165 = arith.addi %and3A_6, %add3A_164 : vector<16xi32>
      %select_n3A = arith.select %lt3A_162, %add3A_165, %and3A_6 : vector<16xi1>, vector<16xi32>
      %reshape3A = vector.shape_cast %select_n3A : vector<16xi32> to vector<16x1xi32>
      %gather3A = vector.shape_cast %reshape3A : vector<16x1xi32> to vector<16xi32>
      %gather3A_166 = tpu.dynamic_gather %get3A_160[%gather3A] in [0] : vector<16xf32>, vector<16xi32> -> vector<16xf32>
      %mul3A_167 = arith.mulf %mul3A_157, %gather3A_166 : vector<16xf32>
      %swap3A = arith.index_cast %scan3A_149 : i32 to index
      %swap3A_168 = arith.constant 0 : index
      %swap3A_169 = tpu.vector_load %arg21[%swap3A, %swap3A_168] {strides = array<i32>} : memref<640x16xf32, #tpu.memory_space<vmem>>, vector<16xf32>,
      tpu.vector_store %arg21[%swap3A, %swap3A_168], %mul3A_167 {strides = array<i32>} : memref<640x16xf32, #tpu.memory_space<vmem>>, vector<16xf32>,
      %scan3A_170 = arith.constant 0 : i32
      scf.yield %scan3A_170 : i32
    }
    %scan3A_93 = arith.constant 640 : i32
    "tpu.region"() ({
      %run_scoped3A = tpu.sem_alloc : memref<!tpu.dma_semaphore, #tpu.memory_space<semaphore_mem>>
      %dma_start3A = arith.constant 0 : i32
      %dma_start3A_149 = tpu.memref_slice %arg10[%mul3A_2, %dma_start3A] : memref<10240x16xf32, #tpu.memory_space<vmem_shared>> -> memref<640x16xf32, #tpu.memory_space<vmem_shared>>
      %dma_start3A_150 = arith.constant 0 : i32
      %dma_start3A_151 = tpu.memref_slice %arg10[%mul3A_2, %dma_start3A_150] : memref<10240x16xf32, #tpu.memory_space<vmem_shared>> -> memref<640x16xf32, #tpu.memory_space<vmem_shared>>
      tpu.enqueue_dma source(%arg21 : memref<640x16xf32, #tpu.memory_space<vmem>>) target(%dma_start3A_151 : memref<640x16xf32, #tpu.memory_space<vmem_shared>>) target_semaphore(%run_scoped3A : memref<!tpu.dma_semaphore, #tpu.memory_space<semaphore_mem>>)
      %dma_wait3A = arith.constant 0 : i32
      %dma_wait3A_152 = tpu.memref_slice %arg10[%mul3A_2, %dma_wait3A] : memref<10240x16xf32, #tpu.memory_space<vmem_shared>> -> memref<640x16xf32, #tpu.memory_space<vmem_shared>>
      %dma_wait3A_153 = arith.constant 0 : i32
      %dma_wait3A_154 = tpu.memref_slice %arg10[%mul3A_2, %dma_wait3A_153] : memref<10240x16xf32, #tpu.memory_space<vmem_shared>> -> memref<640x16xf32, #tpu.memory_space<vmem_shared>>
      tpu.wait_dma2 semaphore(%run_scoped3A : memref<!tpu.dma_semaphore, #tpu.memory_space<semaphore_mem>>) src(%arg21 : memref<640x16xf32, #tpu.memory_space<vmem>>) dst(%dma_wait3A_154 : memref<640x16xf32, #tpu.memory_space<vmem_shared>>)
      tpu.yield
    }) : () -> ()
    "tpu.region"() ({
      %run_scoped3A = tpu.sem_alloc : memref<!tpu.dma_semaphore, #tpu.memory_space<semaphore_mem>>
      %dma_start3A = arith.constant 0 : i32
      %dma_start3A_149 = tpu.memref_slice %arg12[%mul3A_2, %dma_start3A] : memref<10240x16xf32, #tpu.memory_space<vmem_shared>> -> memref<640x16xf32, #tpu.memory_space<vmem_shared>>
      %dma_start3A_150 = arith.constant 0 : i32
      %dma_start3A_151 = tpu.memref_slice %arg12[%mul3A_2, %dma_start3A_150] : memref<10240x16xf32, #tpu.memory_space<vmem_shared>> -> memref<640x16xf32, #tpu.memory_space<vmem_shared>>
      tpu.enqueue_dma source(%arg19 : memref<640x16xf32, #tpu.memory_space<vmem>>) target(%dma_start3A_151 : memref<640x16xf32, #tpu.memory_space<vmem_shared>>) target_semaphore(%run_scoped3A : memref<!tpu.dma_semaphore, #tpu.memory_space<semaphore_mem>>)
      %dma_wait3A = arith.constant 0 : i32
      %dma_wait3A_152 = tpu.memref_slice %arg12[%mul3A_2, %dma_wait3A] : memref<10240x16xf32, #tpu.memory_space<vmem_shared>> -> memref<640x16xf32, #tpu.memory_space<vmem_shared>>
      %dma_wait3A_153 = arith.constant 0 : i32
      %dma_wait3A_154 = tpu.memref_slice %arg12[%mul3A_2, %dma_wait3A_153] : memref<10240x16xf32, #tpu.memory_space<vmem_shared>> -> memref<640x16xf32, #tpu.memory_space<vmem_shared>>
      tpu.wait_dma2 semaphore(%run_scoped3A : memref<!tpu.dma_semaphore, #tpu.memory_space<semaphore_mem>>) src(%arg19 : memref<640x16xf32, #tpu.memory_space<vmem>>) dst(%dma_wait3A_154 : memref<640x16xf32, #tpu.memory_space<vmem_shared>>)
      tpu.yield
    }) : () -> ()
    %barrier3A_94 = arith.constant 0 : index
    tpu.barrier barrier_id(%barrier3A_94)
    %scan3A_95 = arith.constant 0 : i32
    %scan3A_96 = arith.constant 0 : i32
    %scan3A_97 = arith.constant 25 : i32
    %scan3A_98 = arith.addi %scan3A_96, %scan3A_97 : i32
    %scan3A_99 = arith.constant 1 : i32
    %scan3A_100 = scf.for %scan3A_149 = %scan3A_96 to %scan3A_98 step %scan3A_99 iter_args(%scan3A_150 = %scan3A_95) -> (i32)  : i32 {
      %mul3A_151 = arith.constant 800 : i32
      %mul3A_152 = arith.muli %scan3A_149, %mul3A_151 : i32
      %add3A_153 = arith.addi %mul3A_0, %mul3A_152 : i32
      "tpu.region"() ({
        %run_scoped3A = tpu.sem_alloc : memref<!tpu.dma_semaphore, #tpu.memory_space<semaphore_mem>>
        %dma_start3A = tpu.memref_slice %arg3[%add3A_153] : memref<320000xi32, #tpu.memory_space<hbm>> -> memref<800xi32, #tpu.memory_space<hbm>>
        %dma_start3A_155 = tpu.memref_slice %arg3[%add3A_153] : memref<320000xi32, #tpu.memory_space<hbm>> -> memref<800xi32, #tpu.memory_space<hbm>>
        tpu.enqueue_dma source(%dma_start3A_155 : memref<800xi32, #tpu.memory_space<hbm>>) target(%arg15 : memref<800xi32, #tpu.memory_space<vmem>>) target_semaphore(%run_scoped3A : memref<!tpu.dma_semaphore, #tpu.memory_space<semaphore_mem>>)
        %dma_wait3A = tpu.memref_slice %arg3[%add3A_153] : memref<320000xi32, #tpu.memory_space<hbm>> -> memref<800xi32, #tpu.memory_space<hbm>>
        %dma_wait3A_156 = tpu.memref_slice %arg3[%add3A_153] : memref<320000xi32, #tpu.memory_space<hbm>> -> memref<800xi32, #tpu.memory_space<hbm>>
        tpu.wait_dma2 semaphore(%run_scoped3A : memref<!tpu.dma_semaphore, #tpu.memory_space<semaphore_mem>>) src(%dma_wait3A_156 : memref<800xi32, #tpu.memory_space<hbm>>) dst(%arg15 : memref<800xi32, #tpu.memory_space<vmem>>)
        tpu.yield
      }) : () -> ()
      "tpu.region"() ({
        %run_scoped3A = tpu.sem_alloc : memref<!tpu.dma_semaphore, #tpu.memory_space<semaphore_mem>>
        %dma_start3A = arith.constant 0 : i32
        %dma_start3A_155 = arith.constant 0 : i32
        %dma_start3A_156 = tpu.memref_slice %arg10[%dma_start3A, %dma_start3A_155] : memref<10240x16xf32, #tpu.memory_space<vmem_shared>> -> memref<10240x16xf32, #tpu.memory_space<vmem_shared>>
        tpu.enqueue_indirect_dma source(%dma_start3A_156 : memref<10240x16xf32, #tpu.memory_space<vmem_shared>>) target(%arg16 : memref<800x16xf32, #tpu.memory_space<vmem>>) offsets(%arg15 : memref<800xi32, #tpu.memory_space<vmem>>) semaphore(%run_scoped3A : memref<!tpu.dma_semaphore, #tpu.memory_space<semaphore_mem>>)
        %dma_wait3A = arith.constant 0 : i32
        %dma_wait3A_157 = arith.constant 0 : i32
        %dma_wait3A_158 = tpu.memref_slice %arg10[%dma_wait3A, %dma_wait3A_157] : memref<10240x16xf32, #tpu.memory_space<vmem_shared>> -> memref<10240x16xf32, #tpu.memory_space<vmem_shared>>
        tpu.wait_indirect_dma semaphore(%run_scoped3A : memref<!tpu.dma_semaphore, #tpu.memory_space<semaphore_mem>>) src(%dma_wait3A_158 : memref<10240x16xf32, #tpu.memory_space<vmem_shared>>) dst(%arg16 : memref<800x16xf32, #tpu.memory_space<vmem>>)
        tpu.yield
      }) : () -> ()
      "tpu.region"() ({
        %run_scoped3A = tpu.sem_alloc : memref<!tpu.dma_semaphore, #tpu.memory_space<semaphore_mem>>
        %dma_start3A = tpu.memref_slice %arg2[%add3A_153] : memref<320000xi32, #tpu.memory_space<hbm>> -> memref<800xi32, #tpu.memory_space<hbm>>
        %dma_start3A_155 = tpu.memref_slice %arg2[%add3A_153] : memref<320000xi32, #tpu.memory_space<hbm>> -> memref<800xi32, #tpu.memory_space<hbm>>
        tpu.enqueue_dma source(%dma_start3A_155 : memref<800xi32, #tpu.memory_space<hbm>>) target(%arg14 : memref<800xi32, #tpu.memory_space<vmem>>) target_semaphore(%run_scoped3A : memref<!tpu.dma_semaphore, #tpu.memory_space<semaphore_mem>>)
        %dma_wait3A = tpu.memref_slice %arg2[%add3A_153] : memref<320000xi32, #tpu.memory_space<hbm>> -> memref<800xi32, #tpu.memory_space<hbm>>
        %dma_wait3A_156 = tpu.memref_slice %arg2[%add3A_153] : memref<320000xi32, #tpu.memory_space<hbm>> -> memref<800xi32, #tpu.memory_space<hbm>>
        tpu.wait_dma2 semaphore(%run_scoped3A : memref<!tpu.dma_semaphore, #tpu.memory_space<semaphore_mem>>) src(%dma_wait3A_156 : memref<800xi32, #tpu.memory_space<hbm>>) dst(%arg14 : memref<800xi32, #tpu.memory_space<vmem>>)
        tpu.yield
      }) : () -> ()
      "tpu.region"() ({
        %run_scoped3A = tpu.sem_alloc : memref<!tpu.dma_semaphore, #tpu.memory_space<semaphore_mem>>
        %dma_start3A = arith.constant 0 : i32
        %dma_start3A_155 = arith.constant 0 : i32
        %dma_start3A_156 = tpu.memref_slice %arg12[%dma_start3A, %dma_start3A_155] : memref<10240x16xf32, #tpu.memory_space<vmem_shared>> -> memref<10240x16xf32, #tpu.memory_space<vmem_shared>>
        tpu.enqueue_indirect_dma source(%arg16 : memref<800x16xf32, #tpu.memory_space<vmem>>) target(%dma_start3A_156 : memref<10240x16xf32, #tpu.memory_space<vmem_shared>>) offsets(%arg14 : memref<800xi32, #tpu.memory_space<vmem>>) semaphore(%run_scoped3A : memref<!tpu.dma_semaphore, #tpu.memory_space<semaphore_mem>>) {add = true}
        %dma_wait3A = arith.constant 0 : i32
        %dma_wait3A_157 = arith.constant 0 : i32
        %dma_wait3A_158 = tpu.memref_slice %arg12[%dma_wait3A, %dma_wait3A_157] : memref<10240x16xf32, #tpu.memory_space<vmem_shared>> -> memref<10240x16xf32, #tpu.memory_space<vmem_shared>>
        tpu.wait_indirect_dma semaphore(%run_scoped3A : memref<!tpu.dma_semaphore, #tpu.memory_space<semaphore_mem>>) src(%arg16 : memref<800x16xf32, #tpu.memory_space<vmem>>) dst(%dma_wait3A_158 : memref<10240x16xf32, #tpu.memory_space<vmem_shared>>)
        tpu.yield
      }) : () -> ()
      %scan3A_154 = arith.constant 0 : i32
      scf.yield %scan3A_154 : i32
    }
    %scan3A_101 = arith.constant 25 : i32
    %barrier3A_102 = arith.constant 0 : index
    tpu.barrier barrier_id(%barrier3A_102)
    "tpu.region"() ({
      %run_scoped3A = tpu.sem_alloc : memref<!tpu.dma_semaphore, #tpu.memory_space<semaphore_mem>>
      %dma_start3A = arith.constant 0 : i32
      %dma_start3A_149 = tpu.memref_slice %arg5[%mul3A_2, %dma_start3A] : memref<10240x16xf32, #tpu.memory_space<hbm>> -> memref<640x16xf32, #tpu.memory_space<hbm>>
      %dma_start3A_150 = arith.constant 0 : i32
      %dma_start3A_151 = tpu.memref_slice %arg5[%mul3A_2, %dma_start3A_150] : memref<10240x16xf32, #tpu.memory_space<hbm>> -> memref<640x16xf32, #tpu.memory_space<hbm>>
      tpu.enqueue_dma source(%dma_start3A_151 : memref<640x16xf32, #tpu.memory_space<hbm>>) target(%arg20 : memref<640x16xf32, #tpu.memory_space<vmem>>) target_semaphore(%run_scoped3A : memref<!tpu.dma_semaphore, #tpu.memory_space<semaphore_mem>>)
      %dma_wait3A = arith.constant 0 : i32
      %dma_wait3A_152 = tpu.memref_slice %arg5[%mul3A_2, %dma_wait3A] : memref<10240x16xf32, #tpu.memory_space<hbm>> -> memref<640x16xf32, #tpu.memory_space<hbm>>
      %dma_wait3A_153 = arith.constant 0 : i32
      %dma_wait3A_154 = tpu.memref_slice %arg5[%mul3A_2, %dma_wait3A_153] : memref<10240x16xf32, #tpu.memory_space<hbm>> -> memref<640x16xf32, #tpu.memory_space<hbm>>
      tpu.wait_dma2 semaphore(%run_scoped3A : memref<!tpu.dma_semaphore, #tpu.memory_space<semaphore_mem>>) src(%dma_wait3A_154 : memref<640x16xf32, #tpu.memory_space<hbm>>) dst(%arg20 : memref<640x16xf32, #tpu.memory_space<vmem>>)
      tpu.yield
    }) : () -> ()
    "tpu.region"() ({
      %run_scoped3A = tpu.sem_alloc : memref<!tpu.dma_semaphore, #tpu.memory_space<semaphore_mem>>
      %dma_start3A = arith.constant 0 : i32
      %dma_start3A_149 = tpu.memref_slice %arg11[%mul3A_2, %dma_start3A] : memref<10240x16xf32, #tpu.memory_space<vmem_shared>> -> memref<640x16xf32, #tpu.memory_space<vmem_shared>>
      %dma_start3A_150 = arith.constant 0 : i32
      %dma_start3A_151 = tpu.memref_slice %arg11[%mul3A_2, %dma_start3A_150] : memref<10240x16xf32, #tpu.memory_space<vmem_shared>> -> memref<640x16xf32, #tpu.memory_space<vmem_shared>>
      tpu.enqueue_dma source(%dma_start3A_151 : memref<640x16xf32, #tpu.memory_space<vmem_shared>>) target(%arg21 : memref<640x16xf32, #tpu.memory_space<vmem>>) target_semaphore(%run_scoped3A : memref<!tpu.dma_semaphore, #tpu.memory_space<semaphore_mem>>)
      %dma_wait3A = arith.constant 0 : i32
      %dma_wait3A_152 = tpu.memref_slice %arg11[%mul3A_2, %dma_wait3A] : memref<10240x16xf32, #tpu.memory_space<vmem_shared>> -> memref<640x16xf32, #tpu.memory_space<vmem_shared>>
      %dma_wait3A_153 = arith.constant 0 : i32
      %dma_wait3A_154 = tpu.memref_slice %arg11[%mul3A_2, %dma_wait3A_153] : memref<10240x16xf32, #tpu.memory_space<vmem_shared>> -> memref<640x16xf32, #tpu.memory_space<vmem_shared>>
      tpu.wait_dma2 semaphore(%run_scoped3A : memref<!tpu.dma_semaphore, #tpu.memory_space<semaphore_mem>>) src(%dma_wait3A_154 : memref<640x16xf32, #tpu.memory_space<vmem_shared>>) dst(%arg21 : memref<640x16xf32, #tpu.memory_space<vmem>>)
      tpu.yield
    }) : () -> ()
    "tpu.region"() ({
      %run_scoped3A = tpu.sem_alloc : memref<!tpu.dma_semaphore, #tpu.memory_space<semaphore_mem>>
      %dma_start3A = arith.constant 0 : i32
      %dma_start3A_149 = tpu.memref_slice %arg12[%mul3A_2, %dma_start3A] : memref<10240x16xf32, #tpu.memory_space<vmem_shared>> -> memref<640x16xf32, #tpu.memory_space<vmem_shared>>
      %dma_start3A_150 = arith.constant 0 : i32
      %dma_start3A_151 = tpu.memref_slice %arg12[%mul3A_2, %dma_start3A_150] : memref<10240x16xf32, #tpu.memory_space<vmem_shared>> -> memref<640x16xf32, #tpu.memory_space<vmem_shared>>
      tpu.enqueue_dma source(%dma_start3A_151 : memref<640x16xf32, #tpu.memory_space<vmem_shared>>) target(%arg22 : memref<640x16xf32, #tpu.memory_space<vmem>>) target_semaphore(%run_scoped3A : memref<!tpu.dma_semaphore, #tpu.memory_space<semaphore_mem>>)
      %dma_wait3A = arith.constant 0 : i32
      %dma_wait3A_152 = tpu.memref_slice %arg12[%mul3A_2, %dma_wait3A] : memref<10240x16xf32, #tpu.memory_space<vmem_shared>> -> memref<640x16xf32, #tpu.memory_space<vmem_shared>>
      %dma_wait3A_153 = arith.constant 0 : i32
      %dma_wait3A_154 = tpu.memref_slice %arg12[%mul3A_2, %dma_wait3A_153] : memref<10240x16xf32, #tpu.memory_space<vmem_shared>> -> memref<640x16xf32, #tpu.memory_space<vmem_shared>>
      tpu.wait_dma2 semaphore(%run_scoped3A : memref<!tpu.dma_semaphore, #tpu.memory_space<semaphore_mem>>) src(%dma_wait3A_154 : memref<640x16xf32, #tpu.memory_space<vmem_shared>>) dst(%arg22 : memref<640x16xf32, #tpu.memory_space<vmem>>)
      tpu.yield
    }) : () -> ()
    %scan3A_103 = arith.constant 0 : i32
    %scan3A_104 = arith.constant 0 : i32
    %scan3A_105 = arith.constant 640 : i32
    %scan3A_106 = arith.addi %scan3A_104, %scan3A_105 : i32
    %scan3A_107 = arith.constant 1 : i32
    %scan3A_108 = scf.for %scan3A_149 = %scan3A_104 to %scan3A_106 step %scan3A_107 iter_args(%scan3A_150 = %scan3A_103) -> (i32)  : i32 {
      %get3A_151 = arith.index_cast %scan3A_149 : i32 to index
      %get3A_152 = arith.constant 0 : index
      %get3A_153 = tpu.vector_load %arg20[%get3A_151, %get3A_152] {strides = array<i32>} : memref<640x16xf32, #tpu.memory_space<vmem>>, vector<16xf32>,
      %get3A_154 = arith.index_cast %scan3A_149 : i32 to index
      %get3A_155 = arith.constant 0 : index
      %get3A_156 = tpu.vector_load %arg23[%get3A_154, %get3A_155] {strides = array<i32>} : memref<640x16xf32, #tpu.memory_space<vmem>>, vector<16xf32>,
      %get3A_157 = arith.index_cast %scan3A_149 : i32 to index
      %get3A_158 = arith.constant 0 : index
      %get3A_159 = tpu.vector_load %arg21[%get3A_157, %get3A_158] {strides = array<i32>} : memref<640x16xf32, #tpu.memory_space<vmem>>, vector<16xf32>,
      %mul3A_160 = arith.mulf %get3A_156, %get3A_159 : vector<16xf32>
      %sub3A = arith.subf %get3A_153, %mul3A_160 : vector<16xf32>
      %get3A_161 = arith.index_cast %scan3A_149 : i32 to index
      %get3A_162 = arith.constant 0 : index
      %get3A_163 = tpu.vector_load %arg23[%get3A_161, %get3A_162] {strides = array<i32>} : memref<640x16xf32, #tpu.memory_space<vmem>>, vector<16xf32>,
      %mul3A_164 = arith.constant 2.000000e+00 : f32
      %mul3A_165 = vector.broadcast %mul3A_164 : f32 to vector<16xf32>
      %mul3A_166 = arith.mulf %mul3A_165, %get3A_163 : vector<16xf32>
      %get3A_167 = arith.index_cast %scan3A_149 : i32 to index
      %get3A_168 = arith.constant 0 : index
      %get3A_169 = tpu.vector_load %arg22[%get3A_167, %get3A_168] {strides = array<i32>} : memref<640x16xf32, #tpu.memory_space<vmem>>, vector<16xf32>,
      %mul3A_170 = arith.mulf %mul3A_166, %get3A_169 : vector<16xf32>
      %add3A_171 = arith.addf %sub3A, %mul3A_170 : vector<16xf32>
      %add3A_172 = arith.addf %add3A_171, %get3A_58 : vector<16xf32>
      %max3A = arith.constant 0.000000e+00 : f32
      %max3A_173 = vector.broadcast %max3A : f32 to vector<16xf32>
      %max3A_174 = arith.maximumf %add3A_172, %max3A_173 : vector<16xf32>
      %swap3A = arith.index_cast %scan3A_149 : i32 to index
      %swap3A_175 = arith.constant 0 : index
      %swap3A_176 = tpu.vector_load %arg20[%swap3A, %swap3A_175] {strides = array<i32>} : memref<640x16xf32, #tpu.memory_space<vmem>>, vector<16xf32>,
      tpu.vector_store %arg20[%swap3A, %swap3A_175], %max3A_174 {strides = array<i32>} : memref<640x16xf32, #tpu.memory_space<vmem>>, vector<16xf32>,
      %scan3A_177 = arith.constant 0 : i32
      scf.yield %scan3A_177 : i32
    }
    %scan3A_109 = arith.constant 640 : i32
    "tpu.region"() ({
      %run_scoped3A = tpu.sem_alloc : memref<!tpu.dma_semaphore, #tpu.memory_space<semaphore_mem>>
      %dma_start3A = arith.constant 0 : i32
      %dma_start3A_149 = tpu.memref_slice %arg13[%mul3A_2, %dma_start3A] : memref<10240x16xf32, #tpu.memory_space<vmem_shared>> -> memref<640x16xf32, #tpu.memory_space<vmem_shared>>
      %dma_start3A_150 = arith.constant 0 : i32
      %dma_start3A_151 = tpu.memref_slice %arg13[%mul3A_2, %dma_start3A_150] : memref<10240x16xf32, #tpu.memory_space<vmem_shared>> -> memref<640x16xf32, #tpu.memory_space<vmem_shared>>
      tpu.enqueue_dma source(%arg20 : memref<640x16xf32, #tpu.memory_space<vmem>>) target(%dma_start3A_151 : memref<640x16xf32, #tpu.memory_space<vmem_shared>>) target_semaphore(%run_scoped3A : memref<!tpu.dma_semaphore, #tpu.memory_space<semaphore_mem>>)
      %dma_wait3A = arith.constant 0 : i32
      %dma_wait3A_152 = tpu.memref_slice %arg13[%mul3A_2, %dma_wait3A] : memref<10240x16xf32, #tpu.memory_space<vmem_shared>> -> memref<640x16xf32, #tpu.memory_space<vmem_shared>>
      %dma_wait3A_153 = arith.constant 0 : i32
      %dma_wait3A_154 = tpu.memref_slice %arg13[%mul3A_2, %dma_wait3A_153] : memref<10240x16xf32, #tpu.memory_space<vmem_shared>> -> memref<640x16xf32, #tpu.memory_space<vmem_shared>>
      tpu.wait_dma2 semaphore(%run_scoped3A : memref<!tpu.dma_semaphore, #tpu.memory_space<semaphore_mem>>) src(%arg20 : memref<640x16xf32, #tpu.memory_space<vmem>>) dst(%dma_wait3A_154 : memref<640x16xf32, #tpu.memory_space<vmem_shared>>)
      tpu.yield
    }) : () -> ()
    %scan3A_110 = arith.constant 0 : i32
    %scan3A_111 = arith.constant 0 : i32
    %scan3A_112 = arith.constant 640 : i32
    %scan3A_113 = arith.addi %scan3A_111, %scan3A_112 : i32
    %scan3A_114 = arith.constant 1 : i32
    %scan3A_115 = scf.for %scan3A_149 = %scan3A_111 to %scan3A_113 step %scan3A_114 iter_args(%scan3A_150 = %scan3A_110) -> (i32)  : i32 {
      %get3A_151 = arith.index_cast %scan3A_149 : i32 to index
      %get3A_152 = arith.constant 0 : index
      %get3A_153 = tpu.vector_load %arg24[%get3A_151, %get3A_152] {strides = array<i32>} : memref<640x16xf32, #tpu.memory_space<vmem>>, vector<16xf32>,
      %get3A_154 = arith.index_cast %scan3A_149 : i32 to index
      %get3A_155 = arith.constant 0 : index
      %get3A_156 = tpu.vector_load %arg20[%get3A_154, %get3A_155] {strides = array<i32>} : memref<640x16xf32, #tpu.memory_space<vmem>>, vector<16xf32>,
      %mul3A_157 = arith.mulf %get3A_153, %get3A_156 : vector<16xf32>
      %swap3A = arith.index_cast %scan3A_149 : i32 to index
      %swap3A_158 = arith.constant 0 : index
      %swap3A_159 = tpu.vector_load %arg21[%swap3A, %swap3A_158] {strides = array<i32>} : memref<640x16xf32, #tpu.memory_space<vmem>>, vector<16xf32>,
      tpu.vector_store %arg21[%swap3A, %swap3A_158], %mul3A_157 {strides = array<i32>} : memref<640x16xf32, #tpu.memory_space<vmem>>, vector<16xf32>,
      %scan3A_160 = arith.constant 0 : i32
      scf.yield %scan3A_160 : i32
    }
    %scan3A_116 = arith.constant 640 : i32
    "tpu.region"() ({
      %run_scoped3A = tpu.sem_alloc : memref<!tpu.dma_semaphore, #tpu.memory_space<semaphore_mem>>
      %dma_start3A = arith.constant 0 : i32
      %dma_start3A_149 = tpu.memref_slice %arg10[%mul3A_2, %dma_start3A] : memref<10240x16xf32, #tpu.memory_space<vmem_shared>> -> memref<640x16xf32, #tpu.memory_space<vmem_shared>>
      %dma_start3A_150 = arith.constant 0 : i32
      %dma_start3A_151 = tpu.memref_slice %arg10[%mul3A_2, %dma_start3A_150] : memref<10240x16xf32, #tpu.memory_space<vmem_shared>> -> memref<640x16xf32, #tpu.memory_space<vmem_shared>>
      tpu.enqueue_dma source(%arg21 : memref<640x16xf32, #tpu.memory_space<vmem>>) target(%dma_start3A_151 : memref<640x16xf32, #tpu.memory_space<vmem_shared>>) target_semaphore(%run_scoped3A : memref<!tpu.dma_semaphore, #tpu.memory_space<semaphore_mem>>)
      %dma_wait3A = arith.constant 0 : i32
      %dma_wait3A_152 = tpu.memref_slice %arg10[%mul3A_2, %dma_wait3A] : memref<10240x16xf32, #tpu.memory_space<vmem_shared>> -> memref<640x16xf32, #tpu.memory_space<vmem_shared>>
      %dma_wait3A_153 = arith.constant 0 : i32
      %dma_wait3A_154 = tpu.memref_slice %arg10[%mul3A_2, %dma_wait3A_153] : memref<10240x16xf32, #tpu.memory_space<vmem_shared>> -> memref<640x16xf32, #tpu.memory_space<vmem_shared>>
      tpu.wait_dma2 semaphore(%run_scoped3A : memref<!tpu.dma_semaphore, #tpu.memory_space<semaphore_mem>>) src(%arg21 : memref<640x16xf32, #tpu.memory_space<vmem>>) dst(%dma_wait3A_154 : memref<640x16xf32, #tpu.memory_space<vmem_shared>>)
      tpu.yield
    }) : () -> ()
    "tpu.region"() ({
      %run_scoped3A = tpu.sem_alloc : memref<!tpu.dma_semaphore, #tpu.memory_space<semaphore_mem>>
      %dma_start3A = arith.constant 0 : i32
      %dma_start3A_149 = tpu.memref_slice %arg11[%mul3A_2, %dma_start3A] : memref<10240x16xf32, #tpu.memory_space<vmem_shared>> -> memref<640x16xf32, #tpu.memory_space<vmem_shared>>
      %dma_start3A_150 = arith.constant 0 : i32
      %dma_start3A_151 = tpu.memref_slice %arg11[%mul3A_2, %dma_start3A_150] : memref<10240x16xf32, #tpu.memory_space<vmem_shared>> -> memref<640x16xf32, #tpu.memory_space<vmem_shared>>
      tpu.enqueue_dma source(%arg19 : memref<640x16xf32, #tpu.memory_space<vmem>>) target(%dma_start3A_151 : memref<640x16xf32, #tpu.memory_space<vmem_shared>>) target_semaphore(%run_scoped3A : memref<!tpu.dma_semaphore, #tpu.memory_space<semaphore_mem>>)
      %dma_wait3A = arith.constant 0 : i32
      %dma_wait3A_152 = tpu.memref_slice %arg11[%mul3A_2, %dma_wait3A] : memref<10240x16xf32, #tpu.memory_space<vmem_shared>> -> memref<640x16xf32, #tpu.memory_space<vmem_shared>>
      %dma_wait3A_153 = arith.constant 0 : i32
      %dma_wait3A_154 = tpu.memref_slice %arg11[%mul3A_2, %dma_wait3A_153] : memref<10240x16xf32, #tpu.memory_space<vmem_shared>> -> memref<640x16xf32, #tpu.memory_space<vmem_shared>>
      tpu.wait_dma2 semaphore(%run_scoped3A : memref<!tpu.dma_semaphore, #tpu.memory_space<semaphore_mem>>) src(%arg19 : memref<640x16xf32, #tpu.memory_space<vmem>>) dst(%dma_wait3A_154 : memref<640x16xf32, #tpu.memory_space<vmem_shared>>)
      tpu.yield
    }) : () -> ()
    %barrier3A_117 = arith.constant 0 : index
    tpu.barrier barrier_id(%barrier3A_117)
    %scan3A_118 = arith.constant 0 : i32
    %scan3A_119 = arith.constant 0 : i32
    %scan3A_120 = arith.constant 25 : i32
    %scan3A_121 = arith.addi %scan3A_119, %scan3A_120 : i32
    %scan3A_122 = arith.constant 1 : i32
    %scan3A_123 = scf.for %scan3A_149 = %scan3A_119 to %scan3A_121 step %scan3A_122 iter_args(%scan3A_150 = %scan3A_118) -> (i32)  : i32 {
      %mul3A_151 = arith.constant 800 : i32
      %mul3A_152 = arith.muli %scan3A_149, %mul3A_151 : i32
      %add3A_153 = arith.addi %mul3A_0, %mul3A_152 : i32
      "tpu.region"() ({
        %run_scoped3A = tpu.sem_alloc : memref<!tpu.dma_semaphore, #tpu.memory_space<semaphore_mem>>
        %dma_start3A = tpu.memref_slice %arg3[%add3A_153] : memref<320000xi32, #tpu.memory_space<hbm>> -> memref<800xi32, #tpu.memory_space<hbm>>
        %dma_start3A_155 = tpu.memref_slice %arg3[%add3A_153] : memref<320000xi32, #tpu.memory_space<hbm>> -> memref<800xi32, #tpu.memory_space<hbm>>
        tpu.enqueue_dma source(%dma_start3A_155 : memref<800xi32, #tpu.memory_space<hbm>>) target(%arg15 : memref<800xi32, #tpu.memory_space<vmem>>) target_semaphore(%run_scoped3A : memref<!tpu.dma_semaphore, #tpu.memory_space<semaphore_mem>>)
        %dma_wait3A = tpu.memref_slice %arg3[%add3A_153] : memref<320000xi32, #tpu.memory_space<hbm>> -> memref<800xi32, #tpu.memory_space<hbm>>
        %dma_wait3A_156 = tpu.memref_slice %arg3[%add3A_153] : memref<320000xi32, #tpu.memory_space<hbm>> -> memref<800xi32, #tpu.memory_space<hbm>>
        tpu.wait_dma2 semaphore(%run_scoped3A : memref<!tpu.dma_semaphore, #tpu.memory_space<semaphore_mem>>) src(%dma_wait3A_156 : memref<800xi32, #tpu.memory_space<hbm>>) dst(%arg15 : memref<800xi32, #tpu.memory_space<vmem>>)
        tpu.yield
      }) : () -> ()
      "tpu.region"() ({
        %run_scoped3A = tpu.sem_alloc : memref<!tpu.dma_semaphore, #tpu.memory_space<semaphore_mem>>
        %dma_start3A = arith.constant 0 : i32
        %dma_start3A_155 = arith.constant 0 : i32
        %dma_start3A_156 = tpu.memref_slice %arg10[%dma_start3A, %dma_start3A_155] : memref<10240x16xf32, #tpu.memory_space<vmem_shared>> -> memref<10240x16xf32, #tpu.memory_space<vmem_shared>>
        tpu.enqueue_indirect_dma source(%dma_start3A_156 : memref<10240x16xf32, #tpu.memory_space<vmem_shared>>) target(%arg16 : memref<800x16xf32, #tpu.memory_space<vmem>>) offsets(%arg15 : memref<800xi32, #tpu.memory_space<vmem>>) semaphore(%run_scoped3A : memref<!tpu.dma_semaphore, #tpu.memory_space<semaphore_mem>>)
        %dma_wait3A = arith.constant 0 : i32
        %dma_wait3A_157 = arith.constant 0 : i32
        %dma_wait3A_158 = tpu.memref_slice %arg10[%dma_wait3A, %dma_wait3A_157] : memref<10240x16xf32, #tpu.memory_space<vmem_shared>> -> memref<10240x16xf32, #tpu.memory_space<vmem_shared>>
        tpu.wait_indirect_dma semaphore(%run_scoped3A : memref<!tpu.dma_semaphore, #tpu.memory_space<semaphore_mem>>) src(%dma_wait3A_158 : memref<10240x16xf32, #tpu.memory_space<vmem_shared>>) dst(%arg16 : memref<800x16xf32, #tpu.memory_space<vmem>>)
        tpu.yield
      }) : () -> ()
      "tpu.region"() ({
        %run_scoped3A = tpu.sem_alloc : memref<!tpu.dma_semaphore, #tpu.memory_space<semaphore_mem>>
        %dma_start3A = tpu.memref_slice %arg2[%add3A_153] : memref<320000xi32, #tpu.memory_space<hbm>> -> memref<800xi32, #tpu.memory_space<hbm>>
        %dma_start3A_155 = tpu.memref_slice %arg2[%add3A_153] : memref<320000xi32, #tpu.memory_space<hbm>> -> memref<800xi32, #tpu.memory_space<hbm>>
        tpu.enqueue_dma source(%dma_start3A_155 : memref<800xi32, #tpu.memory_space<hbm>>) target(%arg14 : memref<800xi32, #tpu.memory_space<vmem>>) target_semaphore(%run_scoped3A : memref<!tpu.dma_semaphore, #tpu.memory_space<semaphore_mem>>)
        %dma_wait3A = tpu.memref_slice %arg2[%add3A_153] : memref<320000xi32, #tpu.memory_space<hbm>> -> memref<800xi32, #tpu.memory_space<hbm>>
        %dma_wait3A_156 = tpu.memref_slice %arg2[%add3A_153] : memref<320000xi32, #tpu.memory_space<hbm>> -> memref<800xi32, #tpu.memory_space<hbm>>
        tpu.wait_dma2 semaphore(%run_scoped3A : memref<!tpu.dma_semaphore, #tpu.memory_space<semaphore_mem>>) src(%dma_wait3A_156 : memref<800xi32, #tpu.memory_space<hbm>>) dst(%arg14 : memref<800xi32, #tpu.memory_space<vmem>>)
        tpu.yield
      }) : () -> ()
      "tpu.region"() ({
        %run_scoped3A = tpu.sem_alloc : memref<!tpu.dma_semaphore, #tpu.memory_space<semaphore_mem>>
        %dma_start3A = arith.constant 0 : i32
        %dma_start3A_155 = arith.constant 0 : i32
        %dma_start3A_156 = tpu.memref_slice %arg11[%dma_start3A, %dma_start3A_155] : memref<10240x16xf32, #tpu.memory_space<vmem_shared>> -> memref<10240x16xf32, #tpu.memory_space<vmem_shared>>
        tpu.enqueue_indirect_dma source(%arg16 : memref<800x16xf32, #tpu.memory_space<vmem>>) target(%dma_start3A_156 : memref<10240x16xf32, #tpu.memory_space<vmem_shared>>) offsets(%arg14 : memref<800xi32, #tpu.memory_space<vmem>>) semaphore(%run_scoped3A : memref<!tpu.dma_semaphore, #tpu.memory_space<semaphore_mem>>) {add = true}
        %dma_wait3A = arith.constant 0 : i32
        %dma_wait3A_157 = arith.constant 0 : i32
        %dma_wait3A_158 = tpu.memref_slice %arg11[%dma_wait3A, %dma_wait3A_157] : memref<10240x16xf32, #tpu.memory_space<vmem_shared>> -> memref<10240x16xf32, #tpu.memory_space<vmem_shared>>
        tpu.wait_indirect_dma semaphore(%run_scoped3A : memref<!tpu.dma_semaphore, #tpu.memory_space<semaphore_mem>>) src(%arg16 : memref<800x16xf32, #tpu.memory_space<vmem>>) dst(%dma_wait3A_158 : memref<10240x16xf32, #tpu.memory_space<vmem_shared>>)
        tpu.yield
      }) : () -> ()
      %scan3A_154 = arith.constant 0 : i32
      scf.yield %scan3A_154 : i32
    }
    %scan3A_124 = arith.constant 25 : i32
    %barrier3A_125 = arith.constant 0 : index
    tpu.barrier barrier_id(%barrier3A_125)
    "tpu.region"() ({
      %run_scoped3A = tpu.sem_alloc : memref<!tpu.dma_semaphore, #tpu.memory_space<semaphore_mem>>
      %dma_start3A = arith.constant 0 : i32
      %dma_start3A_149 = tpu.memref_slice %arg11[%mul3A_2, %dma_start3A] : memref<10240x16xf32, #tpu.memory_space<vmem_shared>> -> memref<640x16xf32, #tpu.memory_space<vmem_shared>>
      %dma_start3A_150 = arith.constant 0 : i32
      %dma_start3A_151 = tpu.memref_slice %arg11[%mul3A_2, %dma_start3A_150] : memref<10240x16xf32, #tpu.memory_space<vmem_shared>> -> memref<640x16xf32, #tpu.memory_space<vmem_shared>>
      tpu.enqueue_dma source(%dma_start3A_151 : memref<640x16xf32, #tpu.memory_space<vmem_shared>>) target(%arg21 : memref<640x16xf32, #tpu.memory_space<vmem>>) target_semaphore(%run_scoped3A : memref<!tpu.dma_semaphore, #tpu.memory_space<semaphore_mem>>)
      %dma_wait3A = arith.constant 0 : i32
      %dma_wait3A_152 = tpu.memref_slice %arg11[%mul3A_2, %dma_wait3A] : memref<10240x16xf32, #tpu.memory_space<vmem_shared>> -> memref<640x16xf32, #tpu.memory_space<vmem_shared>>
      %dma_wait3A_153 = arith.constant 0 : i32
      %dma_wait3A_154 = tpu.memref_slice %arg11[%mul3A_2, %dma_wait3A_153] : memref<10240x16xf32, #tpu.memory_space<vmem_shared>> -> memref<640x16xf32, #tpu.memory_space<vmem_shared>>
      tpu.wait_dma2 semaphore(%run_scoped3A : memref<!tpu.dma_semaphore, #tpu.memory_space<semaphore_mem>>) src(%dma_wait3A_154 : memref<640x16xf32, #tpu.memory_space<vmem_shared>>) dst(%arg21 : memref<640x16xf32, #tpu.memory_space<vmem>>)
      tpu.yield
    }) : () -> ()
    %scan3A_126 = arith.constant 0 : i32
    %scan3A_127 = arith.constant 0 : i32
    %scan3A_128 = arith.constant 640 : i32
    %scan3A_129 = arith.addi %scan3A_127, %scan3A_128 : i32
    %scan3A_130 = arith.constant 1 : i32
    %scan3A_131 = scf.for %scan3A_149 = %scan3A_127 to %scan3A_129 step %scan3A_130 iter_args(%scan3A_150 = %scan3A_126) -> (i32)  : i32 {
      %get3A_151 = arith.index_cast %scan3A_149 : i32 to index
      %get3A_152 = arith.constant 0 : index
      %get3A_153 = tpu.vector_load %arg23[%get3A_151, %get3A_152] {strides = array<i32>} : memref<640x16xf32, #tpu.memory_space<vmem>>, vector<16xf32>,
      %get3A_154 = arith.index_cast %scan3A_149 : i32 to index
      %get3A_155 = arith.constant 0 : index
      %get3A_156 = tpu.vector_load %arg24[%get3A_154, %get3A_155] {strides = array<i32>} : memref<640x16xf32, #tpu.memory_space<vmem>>, vector<16xf32>,
      %mul3A_157 = arith.mulf %get3A_153, %get3A_156 : vector<16xf32>
      %get3A_158 = arith.index_cast %scan3A_149 : i32 to index
      %get3A_159 = arith.constant 0 : index
      %get3A_160 = tpu.vector_load %arg21[%get3A_158, %get3A_159] {strides = array<i32>} : memref<640x16xf32, #tpu.memory_space<vmem>>, vector<16xf32>,
      %mul3A_161 = arith.mulf %mul3A_157, %get3A_160 : vector<16xf32>
      %swap3A = arith.index_cast %scan3A_149 : i32 to index
      %swap3A_162 = arith.constant 0 : index
      %swap3A_163 = tpu.vector_load %arg21[%swap3A, %swap3A_162] {strides = array<i32>} : memref<640x16xf32, #tpu.memory_space<vmem>>, vector<16xf32>,
      tpu.vector_store %arg21[%swap3A, %swap3A_162], %mul3A_161 {strides = array<i32>} : memref<640x16xf32, #tpu.memory_space<vmem>>, vector<16xf32>,
      %scan3A_164 = arith.constant 0 : i32
      scf.yield %scan3A_164 : i32
    }
    %scan3A_132 = arith.constant 640 : i32
    "tpu.region"() ({
      %run_scoped3A = tpu.sem_alloc : memref<!tpu.dma_semaphore, #tpu.memory_space<semaphore_mem>>
      %dma_start3A = arith.constant 0 : i32
      %dma_start3A_149 = tpu.memref_slice %arg10[%mul3A_2, %dma_start3A] : memref<10240x16xf32, #tpu.memory_space<vmem_shared>> -> memref<640x16xf32, #tpu.memory_space<vmem_shared>>
      %dma_start3A_150 = arith.constant 0 : i32
      %dma_start3A_151 = tpu.memref_slice %arg10[%mul3A_2, %dma_start3A_150] : memref<10240x16xf32, #tpu.memory_space<vmem_shared>> -> memref<640x16xf32, #tpu.memory_space<vmem_shared>>
      tpu.enqueue_dma source(%arg21 : memref<640x16xf32, #tpu.memory_space<vmem>>) target(%dma_start3A_151 : memref<640x16xf32, #tpu.memory_space<vmem_shared>>) target_semaphore(%run_scoped3A : memref<!tpu.dma_semaphore, #tpu.memory_space<semaphore_mem>>)
      %dma_wait3A = arith.constant 0 : i32
      %dma_wait3A_152 = tpu.memref_slice %arg10[%mul3A_2, %dma_wait3A] : memref<10240x16xf32, #tpu.memory_space<vmem_shared>> -> memref<640x16xf32, #tpu.memory_space<vmem_shared>>
      %dma_wait3A_153 = arith.constant 0 : i32
      %dma_wait3A_154 = tpu.memref_slice %arg10[%mul3A_2, %dma_wait3A_153] : memref<10240x16xf32, #tpu.memory_space<vmem_shared>> -> memref<640x16xf32, #tpu.memory_space<vmem_shared>>
      tpu.wait_dma2 semaphore(%run_scoped3A : memref<!tpu.dma_semaphore, #tpu.memory_space<semaphore_mem>>) src(%arg21 : memref<640x16xf32, #tpu.memory_space<vmem>>) dst(%dma_wait3A_154 : memref<640x16xf32, #tpu.memory_space<vmem_shared>>)
      tpu.yield
    }) : () -> ()
    "tpu.region"() ({
      %run_scoped3A = tpu.sem_alloc : memref<!tpu.dma_semaphore, #tpu.memory_space<semaphore_mem>>
      %dma_start3A = arith.constant 0 : i32
      %dma_start3A_149 = tpu.memref_slice %arg12[%mul3A_2, %dma_start3A] : memref<10240x16xf32, #tpu.memory_space<vmem_shared>> -> memref<640x16xf32, #tpu.memory_space<vmem_shared>>
      %dma_start3A_150 = arith.constant 0 : i32
      %dma_start3A_151 = tpu.memref_slice %arg12[%mul3A_2, %dma_start3A_150] : memref<10240x16xf32, #tpu.memory_space<vmem_shared>> -> memref<640x16xf32, #tpu.memory_space<vmem_shared>>
      tpu.enqueue_dma source(%arg19 : memref<640x16xf32, #tpu.memory_space<vmem>>) target(%dma_start3A_151 : memref<640x16xf32, #tpu.memory_space<vmem_shared>>) target_semaphore(%run_scoped3A : memref<!tpu.dma_semaphore, #tpu.memory_space<semaphore_mem>>)
      %dma_wait3A = arith.constant 0 : i32
      %dma_wait3A_152 = tpu.memref_slice %arg12[%mul3A_2, %dma_wait3A] : memref<10240x16xf32, #tpu.memory_space<vmem_shared>> -> memref<640x16xf32, #tpu.memory_space<vmem_shared>>
      %dma_wait3A_153 = arith.constant 0 : i32
      %dma_wait3A_154 = tpu.memref_slice %arg12[%mul3A_2, %dma_wait3A_153] : memref<10240x16xf32, #tpu.memory_space<vmem_shared>> -> memref<640x16xf32, #tpu.memory_space<vmem_shared>>
      tpu.wait_dma2 semaphore(%run_scoped3A : memref<!tpu.dma_semaphore, #tpu.memory_space<semaphore_mem>>) src(%arg19 : memref<640x16xf32, #tpu.memory_space<vmem>>) dst(%dma_wait3A_154 : memref<640x16xf32, #tpu.memory_space<vmem_shared>>)
      tpu.yield
    }) : () -> ()
    %barrier3A_133 = arith.constant 0 : index
    tpu.barrier barrier_id(%barrier3A_133)
    %scan3A_134 = arith.constant 0 : i32
    %scan3A_135 = arith.constant 0 : i32
    %scan3A_136 = arith.constant 25 : i32
    %scan3A_137 = arith.addi %scan3A_135, %scan3A_136 : i32
    %scan3A_138 = arith.constant 1 : i32
    %scan3A_139 = scf.for %scan3A_149 = %scan3A_135 to %scan3A_137 step %scan3A_138 iter_args(%scan3A_150 = %scan3A_134) -> (i32)  : i32 {
      %mul3A_151 = arith.constant 800 : i32
      %mul3A_152 = arith.muli %scan3A_149, %mul3A_151 : i32
      %add3A_153 = arith.addi %mul3A_0, %mul3A_152 : i32
      "tpu.region"() ({
        %run_scoped3A = tpu.sem_alloc : memref<!tpu.dma_semaphore, #tpu.memory_space<semaphore_mem>>
        %dma_start3A = tpu.memref_slice %arg3[%add3A_153] : memref<320000xi32, #tpu.memory_space<hbm>> -> memref<800xi32, #tpu.memory_space<hbm>>
        %dma_start3A_155 = tpu.memref_slice %arg3[%add3A_153] : memref<320000xi32, #tpu.memory_space<hbm>> -> memref<800xi32, #tpu.memory_space<hbm>>
        tpu.enqueue_dma source(%dma_start3A_155 : memref<800xi32, #tpu.memory_space<hbm>>) target(%arg15 : memref<800xi32, #tpu.memory_space<vmem>>) target_semaphore(%run_scoped3A : memref<!tpu.dma_semaphore, #tpu.memory_space<semaphore_mem>>)
        %dma_wait3A = tpu.memref_slice %arg3[%add3A_153] : memref<320000xi32, #tpu.memory_space<hbm>> -> memref<800xi32, #tpu.memory_space<hbm>>
        %dma_wait3A_156 = tpu.memref_slice %arg3[%add3A_153] : memref<320000xi32, #tpu.memory_space<hbm>> -> memref<800xi32, #tpu.memory_space<hbm>>
        tpu.wait_dma2 semaphore(%run_scoped3A : memref<!tpu.dma_semaphore, #tpu.memory_space<semaphore_mem>>) src(%dma_wait3A_156 : memref<800xi32, #tpu.memory_space<hbm>>) dst(%arg15 : memref<800xi32, #tpu.memory_space<vmem>>)
        tpu.yield
      }) : () -> ()
      "tpu.region"() ({
        %run_scoped3A = tpu.sem_alloc : memref<!tpu.dma_semaphore, #tpu.memory_space<semaphore_mem>>
        %dma_start3A = arith.constant 0 : i32
        %dma_start3A_155 = arith.constant 0 : i32
        %dma_start3A_156 = tpu.memref_slice %arg10[%dma_start3A, %dma_start3A_155] : memref<10240x16xf32, #tpu.memory_space<vmem_shared>> -> memref<10240x16xf32, #tpu.memory_space<vmem_shared>>
        tpu.enqueue_indirect_dma source(%dma_start3A_156 : memref<10240x16xf32, #tpu.memory_space<vmem_shared>>) target(%arg16 : memref<800x16xf32, #tpu.memory_space<vmem>>) offsets(%arg15 : memref<800xi32, #tpu.memory_space<vmem>>) semaphore(%run_scoped3A : memref<!tpu.dma_semaphore, #tpu.memory_space<semaphore_mem>>)
        %dma_wait3A = arith.constant 0 : i32
        %dma_wait3A_157 = arith.constant 0 : i32
        %dma_wait3A_158 = tpu.memref_slice %arg10[%dma_wait3A, %dma_wait3A_157] : memref<10240x16xf32, #tpu.memory_space<vmem_shared>> -> memref<10240x16xf32, #tpu.memory_space<vmem_shared>>
        tpu.wait_indirect_dma semaphore(%run_scoped3A : memref<!tpu.dma_semaphore, #tpu.memory_space<semaphore_mem>>) src(%dma_wait3A_158 : memref<10240x16xf32, #tpu.memory_space<vmem_shared>>) dst(%arg16 : memref<800x16xf32, #tpu.memory_space<vmem>>)
        tpu.yield
      }) : () -> ()
      "tpu.region"() ({
        %run_scoped3A = tpu.sem_alloc : memref<!tpu.dma_semaphore, #tpu.memory_space<semaphore_mem>>
        %dma_start3A = tpu.memref_slice %arg2[%add3A_153] : memref<320000xi32, #tpu.memory_space<hbm>> -> memref<800xi32, #tpu.memory_space<hbm>>
        %dma_start3A_155 = tpu.memref_slice %arg2[%add3A_153] : memref<320000xi32, #tpu.memory_space<hbm>> -> memref<800xi32, #tpu.memory_space<hbm>>
        tpu.enqueue_dma source(%dma_start3A_155 : memref<800xi32, #tpu.memory_space<hbm>>) target(%arg14 : memref<800xi32, #tpu.memory_space<vmem>>) target_semaphore(%run_scoped3A : memref<!tpu.dma_semaphore, #tpu.memory_space<semaphore_mem>>)
        %dma_wait3A = tpu.memref_slice %arg2[%add3A_153] : memref<320000xi32, #tpu.memory_space<hbm>> -> memref<800xi32, #tpu.memory_space<hbm>>
        %dma_wait3A_156 = tpu.memref_slice %arg2[%add3A_153] : memref<320000xi32, #tpu.memory_space<hbm>> -> memref<800xi32, #tpu.memory_space<hbm>>
        tpu.wait_dma2 semaphore(%run_scoped3A : memref<!tpu.dma_semaphore, #tpu.memory_space<semaphore_mem>>) src(%dma_wait3A_156 : memref<800xi32, #tpu.memory_space<hbm>>) dst(%arg14 : memref<800xi32, #tpu.memory_space<vmem>>)
        tpu.yield
      }) : () -> ()
      "tpu.region"() ({
        %run_scoped3A = tpu.sem_alloc : memref<!tpu.dma_semaphore, #tpu.memory_space<semaphore_mem>>
        %dma_start3A = arith.constant 0 : i32
        %dma_start3A_155 = arith.constant 0 : i32
        %dma_start3A_156 = tpu.memref_slice %arg12[%dma_start3A, %dma_start3A_155] : memref<10240x16xf32, #tpu.memory_space<vmem_shared>> -> memref<10240x16xf32, #tpu.memory_space<vmem_shared>>
        tpu.enqueue_indirect_dma source(%arg16 : memref<800x16xf32, #tpu.memory_space<vmem>>) target(%dma_start3A_156 : memref<10240x16xf32, #tpu.memory_space<vmem_shared>>) offsets(%arg14 : memref<800xi32, #tpu.memory_space<vmem>>) semaphore(%run_scoped3A : memref<!tpu.dma_semaphore, #tpu.memory_space<semaphore_mem>>) {add = true}
        %dma_wait3A = arith.constant 0 : i32
        %dma_wait3A_157 = arith.constant 0 : i32
        %dma_wait3A_158 = tpu.memref_slice %arg12[%dma_wait3A, %dma_wait3A_157] : memref<10240x16xf32, #tpu.memory_space<vmem_shared>> -> memref<10240x16xf32, #tpu.memory_space<vmem_shared>>
        tpu.wait_indirect_dma semaphore(%run_scoped3A : memref<!tpu.dma_semaphore, #tpu.memory_space<semaphore_mem>>) src(%arg16 : memref<800x16xf32, #tpu.memory_space<vmem>>) dst(%dma_wait3A_158 : memref<10240x16xf32, #tpu.memory_space<vmem_shared>>)
        tpu.yield
      }) : () -> ()
      %scan3A_154 = arith.constant 0 : i32
      scf.yield %scan3A_154 : i32
    }
    %scan3A_140 = arith.constant 25 : i32
    %barrier3A_141 = arith.constant 0 : index
    tpu.barrier barrier_id(%barrier3A_141)
    "tpu.region"() ({
      %run_scoped3A = tpu.sem_alloc : memref<!tpu.dma_semaphore, #tpu.memory_space<semaphore_mem>>
      %dma_start3A = arith.constant 0 : i32
      %dma_start3A_149 = tpu.memref_slice %arg13[%mul3A_2, %dma_start3A] : memref<10240x16xf32, #tpu.memory_space<vmem_shared>> -> memref<640x16xf32, #tpu.memory_space<vmem_shared>>
      %dma_start3A_150 = arith.constant 0 : i32
      %dma_start3A_151 = tpu.memref_slice %arg13[%mul3A_2, %dma_start3A_150] : memref<10240x16xf32, #tpu.memory_space<vmem_shared>> -> memref<640x16xf32, #tpu.memory_space<vmem_shared>>
      tpu.enqueue_dma source(%dma_start3A_151 : memref<640x16xf32, #tpu.memory_space<vmem_shared>>) target(%arg20 : memref<640x16xf32, #tpu.memory_space<vmem>>) target_semaphore(%run_scoped3A : memref<!tpu.dma_semaphore, #tpu.memory_space<semaphore_mem>>)
      %dma_wait3A = arith.constant 0 : i32
      %dma_wait3A_152 = tpu.memref_slice %arg13[%mul3A_2, %dma_wait3A] : memref<10240x16xf32, #tpu.memory_space<vmem_shared>> -> memref<640x16xf32, #tpu.memory_space<vmem_shared>>
      %dma_wait3A_153 = arith.constant 0 : i32
      %dma_wait3A_154 = tpu.memref_slice %arg13[%mul3A_2, %dma_wait3A_153] : memref<10240x16xf32, #tpu.memory_space<vmem_shared>> -> memref<640x16xf32, #tpu.memory_space<vmem_shared>>
      tpu.wait_dma2 semaphore(%run_scoped3A : memref<!tpu.dma_semaphore, #tpu.memory_space<semaphore_mem>>) src(%dma_wait3A_154 : memref<640x16xf32, #tpu.memory_space<vmem_shared>>) dst(%arg20 : memref<640x16xf32, #tpu.memory_space<vmem>>)
      tpu.yield
    }) : () -> ()
    "tpu.region"() ({
      %run_scoped3A = tpu.sem_alloc : memref<!tpu.dma_semaphore, #tpu.memory_space<semaphore_mem>>
      %dma_start3A = arith.constant 0 : i32
      %dma_start3A_149 = tpu.memref_slice %arg11[%mul3A_2, %dma_start3A] : memref<10240x16xf32, #tpu.memory_space<vmem_shared>> -> memref<640x16xf32, #tpu.memory_space<vmem_shared>>
      %dma_start3A_150 = arith.constant 0 : i32
      %dma_start3A_151 = tpu.memref_slice %arg11[%mul3A_2, %dma_start3A_150] : memref<10240x16xf32, #tpu.memory_space<vmem_shared>> -> memref<640x16xf32, #tpu.memory_space<vmem_shared>>
      tpu.enqueue_dma source(%dma_start3A_151 : memref<640x16xf32, #tpu.memory_space<vmem_shared>>) target(%arg21 : memref<640x16xf32, #tpu.memory_space<vmem>>) target_semaphore(%run_scoped3A : memref<!tpu.dma_semaphore, #tpu.memory_space<semaphore_mem>>)
      %dma_wait3A = arith.constant 0 : i32
      %dma_wait3A_152 = tpu.memref_slice %arg11[%mul3A_2, %dma_wait3A] : memref<10240x16xf32, #tpu.memory_space<vmem_shared>> -> memref<640x16xf32, #tpu.memory_space<vmem_shared>>
      %dma_wait3A_153 = arith.constant 0 : i32
      %dma_wait3A_154 = tpu.memref_slice %arg11[%mul3A_2, %dma_wait3A_153] : memref<10240x16xf32, #tpu.memory_space<vmem_shared>> -> memref<640x16xf32, #tpu.memory_space<vmem_shared>>
      tpu.wait_dma2 semaphore(%run_scoped3A : memref<!tpu.dma_semaphore, #tpu.memory_space<semaphore_mem>>) src(%dma_wait3A_154 : memref<640x16xf32, #tpu.memory_space<vmem_shared>>) dst(%arg21 : memref<640x16xf32, #tpu.memory_space<vmem>>)
      tpu.yield
    }) : () -> ()
    "tpu.region"() ({
      %run_scoped3A = tpu.sem_alloc : memref<!tpu.dma_semaphore, #tpu.memory_space<semaphore_mem>>
      %dma_start3A = arith.constant 0 : i32
      %dma_start3A_149 = tpu.memref_slice %arg12[%mul3A_2, %dma_start3A] : memref<10240x16xf32, #tpu.memory_space<vmem_shared>> -> memref<640x16xf32, #tpu.memory_space<vmem_shared>>
      %dma_start3A_150 = arith.constant 0 : i32
      %dma_start3A_151 = tpu.memref_slice %arg12[%mul3A_2, %dma_start3A_150] : memref<10240x16xf32, #tpu.memory_space<vmem_shared>> -> memref<640x16xf32, #tpu.memory_space<vmem_shared>>
      tpu.enqueue_dma source(%dma_start3A_151 : memref<640x16xf32, #tpu.memory_space<vmem_shared>>) target(%arg22 : memref<640x16xf32, #tpu.memory_space<vmem>>) target_semaphore(%run_scoped3A : memref<!tpu.dma_semaphore, #tpu.memory_space<semaphore_mem>>)
      %dma_wait3A = arith.constant 0 : i32
      %dma_wait3A_152 = tpu.memref_slice %arg12[%mul3A_2, %dma_wait3A] : memref<10240x16xf32, #tpu.memory_space<vmem_shared>> -> memref<640x16xf32, #tpu.memory_space<vmem_shared>>
      %dma_wait3A_153 = arith.constant 0 : i32
      %dma_wait3A_154 = tpu.memref_slice %arg12[%mul3A_2, %dma_wait3A_153] : memref<10240x16xf32, #tpu.memory_space<vmem_shared>> -> memref<640x16xf32, #tpu.memory_space<vmem_shared>>
      tpu.wait_dma2 semaphore(%run_scoped3A : memref<!tpu.dma_semaphore, #tpu.memory_space<semaphore_mem>>) src(%dma_wait3A_154 : memref<640x16xf32, #tpu.memory_space<vmem_shared>>) dst(%arg22 : memref<640x16xf32, #tpu.memory_space<vmem>>)
      tpu.yield
    }) : () -> ()
    %scan3A_142 = arith.constant 0 : i32
    %scan3A_143 = arith.constant 0 : i32
    %scan3A_144 = arith.constant 640 : i32
    %scan3A_145 = arith.addi %scan3A_143, %scan3A_144 : i32
    %scan3A_146 = arith.constant 1 : i32
    %scan3A_147 = scf.for %scan3A_149 = %scan3A_143 to %scan3A_145 step %scan3A_146 iter_args(%scan3A_150 = %scan3A_142) -> (i32)  : i32 {
      %get3A_151 = arith.index_cast %scan3A_149 : i32 to index
      %get3A_152 = arith.constant 0 : index
      %get3A_153 = tpu.vector_load %arg20[%get3A_151, %get3A_152] {strides = array<i32>} : memref<640x16xf32, #tpu.memory_space<vmem>>, vector<16xf32>,
      %mul3A_154 = arith.mulf %get3A_62, %get3A_153 : vector<16xf32>
      %get3A_155 = arith.index_cast %scan3A_149 : i32 to index
      %get3A_156 = arith.constant 0 : index
      %get3A_157 = tpu.vector_load %arg23[%get3A_155, %get3A_156] {strides = array<i32>} : memref<640x16xf32, #tpu.memory_space<vmem>>, vector<16xf32>,
      %get3A_158 = arith.index_cast %scan3A_149 : i32 to index
      %get3A_159 = arith.constant 0 : index
      %get3A_160 = tpu.vector_load %arg22[%get3A_158, %get3A_159] {strides = array<i32>} : memref<640x16xf32, #tpu.memory_space<vmem>>, vector<16xf32>,
      %mul3A_161 = arith.mulf %get3A_70, %get3A_160 : vector<16xf32>
      %get3A_162 = arith.index_cast %scan3A_149 : i32 to index
      %get3A_163 = arith.constant 0 : index
      %get3A_164 = tpu.vector_load %arg21[%get3A_162, %get3A_163] {strides = array<i32>} : memref<640x16xf32, #tpu.memory_space<vmem>>, vector<16xf32>,
      %mul3A_165 = arith.mulf %get3A_66, %get3A_164 : vector<16xf32>
      %sub3A = arith.subf %mul3A_161, %mul3A_165 : vector<16xf32>
      %mul3A_166 = arith.mulf %get3A_157, %sub3A : vector<16xf32>
      %add3A_167 = arith.addf %mul3A_154, %mul3A_166 : vector<16xf32>
      %add3A_168 = arith.addf %add3A_167, %get3A_58 : vector<16xf32>
      %max3A = arith.constant 0.000000e+00 : f32
      %max3A_169 = vector.broadcast %max3A : f32 to vector<16xf32>
      %max3A_170 = arith.maximumf %add3A_168, %max3A_169 : vector<16xf32>
      %swap3A = arith.index_cast %scan3A_149 : i32 to index
      %swap3A_171 = arith.constant 0 : index
      %swap3A_172 = tpu.vector_load %arg20[%swap3A, %swap3A_171] {strides = array<i32>} : memref<640x16xf32, #tpu.memory_space<vmem>>, vector<16xf32>,
      tpu.vector_store %arg20[%swap3A, %swap3A_171], %max3A_170 {strides = array<i32>} : memref<640x16xf32, #tpu.memory_space<vmem>>, vector<16xf32>,
      %scan3A_173 = arith.constant 0 : i32
      scf.yield %scan3A_173 : i32
    }
    %scan3A_148 = arith.constant 640 : i32
    "tpu.region"() ({
      %run_scoped3A = tpu.sem_alloc : memref<!tpu.dma_semaphore, #tpu.memory_space<semaphore_mem>>
      %dma_start3A = arith.constant 0 : i32
      %dma_start3A_149 = tpu.memref_slice %arg7[%mul3A_2, %dma_start3A] : memref<10240x16xf32, #tpu.memory_space<hbm>> -> memref<640x16xf32, #tpu.memory_space<hbm>>
      %dma_start3A_150 = arith.constant 0 : i32
      %dma_start3A_151 = tpu.memref_slice %arg7[%mul3A_2, %dma_start3A_150] : memref<10240x16xf32, #tpu.memory_space<hbm>> -> memref<640x16xf32, #tpu.memory_space<hbm>>
      tpu.enqueue_dma source(%arg20 : memref<640x16xf32, #tpu.memory_space<vmem>>) target(%dma_start3A_151 : memref<640x16xf32, #tpu.memory_space<hbm>>) target_semaphore(%run_scoped3A : memref<!tpu.dma_semaphore, #tpu.memory_space<semaphore_mem>>)
      %dma_wait3A = arith.constant 0 : i32
      %dma_wait3A_152 = tpu.memref_slice %arg7[%mul3A_2, %dma_wait3A] : memref<10240x16xf32, #tpu.memory_space<hbm>> -> memref<640x16xf32, #tpu.memory_space<hbm>>
      %dma_wait3A_153 = arith.constant 0 : i32
      %dma_wait3A_154 = tpu.memref_slice %arg7[%mul3A_2, %dma_wait3A_153] : memref<10240x16xf32, #tpu.memory_space<hbm>> -> memref<640x16xf32, #tpu.memory_space<hbm>>
      tpu.wait_dma2 semaphore(%run_scoped3A : memref<!tpu.dma_semaphore, #tpu.memory_space<semaphore_mem>>) src(%arg20 : memref<640x16xf32, #tpu.memory_space<vmem>>) dst(%dma_wait3A_154 : memref<640x16xf32, #tpu.memory_space<hbm>>)
      tpu.yield
    }) : () -> ()
    return
  }
}

module attributes {stable_mosaic.version = 14 : i64} {
  func.func @_proj_body(%arg0: i32, %arg1: memref<8x1000x128xf32, #tpu.memory_space<vmem>>, %arg2: memref<128x3xf32, #tpu.memory_space<vmem>>, %arg3: memref<1000x16xf32, #tpu.memory_space<vmem>>, %arg4: memref<1000x16xf32, #tpu.memory_space<vmem>>) attributes {dimension_semantics = [#tpu.dimension_semantics<arbitrary>], iteration_bounds = array<i64: 10>, scalar_prefetch = 0 : i64, scratch_operands = 0 : i64, tpu.core_type = #tpu.core_type<tc>, window_params = [{transform_indices = @transform_0, window_bounds = array<i64: 8, 1000, 128>}, {pipeline_mode = #tpu.pipeline_mode<synchronous>, transform_indices = @transform_1, window_bounds = array<i64: 128, 3>}, {transform_indices = @transform_2, window_bounds = array<i64: 1000, 16>}, {transform_indices = @transform_3, window_bounds = array<i64: 1000, 16>}]} {
    %get3A = arith.constant 0 : index
    %get3A_0 = arith.constant 0 : index
    %get3A_1 = arith.constant 0 : index
    %get3A_2 = vector.load %arg1[%get3A, %get3A_0, %get3A_1] : memref<8x1000x128xf32, #tpu.memory_space<vmem>>, vector<8x1000x128xf32>
    %reshape3A = vector.shape_cast %get3A_2 : vector<8x1000x128xf32> to vector<8000x128xf32>
    %get3A_3 = arith.constant 0 : index
    %get3A_4 = arith.constant 0 : index
    %get3A_5 = vector.load %arg2[%get3A_3, %get3A_4] : memref<128x3xf32, #tpu.memory_space<vmem>>, vector<128x3xf32>
    %dot_general3A = arith.constant dense<0.000000e+00> : vector<8000x3xf32>
    %dot_general3A_6 = tpu.matmul %reshape3A, %get3A_5, %dot_general3A {dimension_numbers = #tpu.dot_dimension_numbers<[1], [0], [0], [1], [0, 0, 1, 1], [], []>, transpose_lhs_hint = false} : vector<8000x128xf32>, vector<128x3xf32>, vector<8000x3xf32> -> vector<8000x3xf32>
    %slice3A = vector.extract_strided_slice %dot_general3A_6 {offsets = [0, 1], sizes = [1000, 1], strides = [1, 1]} : vector<8000x3xf32> to vector<1000x1xf32>
    %slice3A_7 = vector.extract_strided_slice %dot_general3A_6 {offsets = [1000, 1], sizes = [1000, 1], strides = [1, 1]} : vector<8000x3xf32> to vector<1000x1xf32>
    %slice3A_8 = vector.extract_strided_slice %dot_general3A_6 {offsets = [2000, 1], sizes = [1000, 1], strides = [1, 1]} : vector<8000x3xf32> to vector<1000x1xf32>
    %slice3A_9 = vector.extract_strided_slice %dot_general3A_6 {offsets = [3000, 1], sizes = [1000, 1], strides = [1, 1]} : vector<8000x3xf32> to vector<1000x1xf32>
    %slice3A_10 = vector.extract_strided_slice %dot_general3A_6 {offsets = [4000, 1], sizes = [1000, 1], strides = [1, 1]} : vector<8000x3xf32> to vector<1000x1xf32>
    %slice3A_11 = vector.extract_strided_slice %dot_general3A_6 {offsets = [5000, 1], sizes = [1000, 1], strides = [1, 1]} : vector<8000x3xf32> to vector<1000x1xf32>
    %slice3A_12 = vector.extract_strided_slice %dot_general3A_6 {offsets = [6000, 1], sizes = [1000, 1], strides = [1, 1]} : vector<8000x3xf32> to vector<1000x1xf32>
    %slice3A_13 = vector.extract_strided_slice %dot_general3A_6 {offsets = [7000, 1], sizes = [1000, 1], strides = [1, 1]} : vector<8000x3xf32> to vector<1000x1xf32>
    %slice3A_14 = vector.extract_strided_slice %dot_general3A_6 {offsets = [0, 2], sizes = [1000, 1], strides = [1, 1]} : vector<8000x3xf32> to vector<1000x1xf32>
    %slice3A_15 = vector.extract_strided_slice %dot_general3A_6 {offsets = [1000, 2], sizes = [1000, 1], strides = [1, 1]} : vector<8000x3xf32> to vector<1000x1xf32>
    %slice3A_16 = vector.extract_strided_slice %dot_general3A_6 {offsets = [2000, 2], sizes = [1000, 1], strides = [1, 1]} : vector<8000x3xf32> to vector<1000x1xf32>
    %slice3A_17 = vector.extract_strided_slice %dot_general3A_6 {offsets = [3000, 2], sizes = [1000, 1], strides = [1, 1]} : vector<8000x3xf32> to vector<1000x1xf32>
    %slice3A_18 = vector.extract_strided_slice %dot_general3A_6 {offsets = [4000, 2], sizes = [1000, 1], strides = [1, 1]} : vector<8000x3xf32> to vector<1000x1xf32>
    %slice3A_19 = vector.extract_strided_slice %dot_general3A_6 {offsets = [5000, 2], sizes = [1000, 1], strides = [1, 1]} : vector<8000x3xf32> to vector<1000x1xf32>
    %slice3A_20 = vector.extract_strided_slice %dot_general3A_6 {offsets = [6000, 2], sizes = [1000, 1], strides = [1, 1]} : vector<8000x3xf32> to vector<1000x1xf32>
    %slice3A_21 = vector.extract_strided_slice %dot_general3A_6 {offsets = [7000, 2], sizes = [1000, 1], strides = [1, 1]} : vector<8000x3xf32> to vector<1000x1xf32>
    %slice3A_22 = vector.extract_strided_slice %dot_general3A_6 {offsets = [0, 0], sizes = [1000, 1], strides = [1, 1]} : vector<8000x3xf32> to vector<1000x1xf32>
    %slice3A_23 = vector.extract_strided_slice %dot_general3A_6 {offsets = [0, 2], sizes = [1000, 1], strides = [1, 1]} : vector<8000x3xf32> to vector<1000x1xf32>
    %sub3A = arith.subf %slice3A_22, %slice3A_23 : vector<1000x1xf32>
    %slice3A_24 = vector.extract_strided_slice %dot_general3A_6 {offsets = [1000, 0], sizes = [1000, 1], strides = [1, 1]} : vector<8000x3xf32> to vector<1000x1xf32>
    %slice3A_25 = vector.extract_strided_slice %dot_general3A_6 {offsets = [1000, 2], sizes = [1000, 1], strides = [1, 1]} : vector<8000x3xf32> to vector<1000x1xf32>
    %sub3A_26 = arith.subf %slice3A_24, %slice3A_25 : vector<1000x1xf32>
    %slice3A_27 = vector.extract_strided_slice %dot_general3A_6 {offsets = [2000, 0], sizes = [1000, 1], strides = [1, 1]} : vector<8000x3xf32> to vector<1000x1xf32>
    %slice3A_28 = vector.extract_strided_slice %dot_general3A_6 {offsets = [2000, 2], sizes = [1000, 1], strides = [1, 1]} : vector<8000x3xf32> to vector<1000x1xf32>
    %sub3A_29 = arith.subf %slice3A_27, %slice3A_28 : vector<1000x1xf32>
    %slice3A_30 = vector.extract_strided_slice %dot_general3A_6 {offsets = [3000, 0], sizes = [1000, 1], strides = [1, 1]} : vector<8000x3xf32> to vector<1000x1xf32>
    %slice3A_31 = vector.extract_strided_slice %dot_general3A_6 {offsets = [3000, 2], sizes = [1000, 1], strides = [1, 1]} : vector<8000x3xf32> to vector<1000x1xf32>
    %sub3A_32 = arith.subf %slice3A_30, %slice3A_31 : vector<1000x1xf32>
    %slice3A_33 = vector.extract_strided_slice %dot_general3A_6 {offsets = [4000, 0], sizes = [1000, 1], strides = [1, 1]} : vector<8000x3xf32> to vector<1000x1xf32>
    %slice3A_34 = vector.extract_strided_slice %dot_general3A_6 {offsets = [4000, 2], sizes = [1000, 1], strides = [1, 1]} : vector<8000x3xf32> to vector<1000x1xf32>
    %sub3A_35 = arith.subf %slice3A_33, %slice3A_34 : vector<1000x1xf32>
    %slice3A_36 = vector.extract_strided_slice %dot_general3A_6 {offsets = [5000, 0], sizes = [1000, 1], strides = [1, 1]} : vector<8000x3xf32> to vector<1000x1xf32>
    %slice3A_37 = vector.extract_strided_slice %dot_general3A_6 {offsets = [5000, 2], sizes = [1000, 1], strides = [1, 1]} : vector<8000x3xf32> to vector<1000x1xf32>
    %sub3A_38 = arith.subf %slice3A_36, %slice3A_37 : vector<1000x1xf32>
    %slice3A_39 = vector.extract_strided_slice %dot_general3A_6 {offsets = [6000, 0], sizes = [1000, 1], strides = [1, 1]} : vector<8000x3xf32> to vector<1000x1xf32>
    %slice3A_40 = vector.extract_strided_slice %dot_general3A_6 {offsets = [6000, 2], sizes = [1000, 1], strides = [1, 1]} : vector<8000x3xf32> to vector<1000x1xf32>
    %sub3A_41 = arith.subf %slice3A_39, %slice3A_40 : vector<1000x1xf32>
    %slice3A_42 = vector.extract_strided_slice %dot_general3A_6 {offsets = [7000, 0], sizes = [1000, 1], strides = [1, 1]} : vector<8000x3xf32> to vector<1000x1xf32>
    %slice3A_43 = vector.extract_strided_slice %dot_general3A_6 {offsets = [7000, 2], sizes = [1000, 1], strides = [1, 1]} : vector<8000x3xf32> to vector<1000x1xf32>
    %sub3A_44 = arith.subf %slice3A_42, %slice3A_43 : vector<1000x1xf32>
    %concatenate3A = tpu.concatenate %slice3A, %slice3A_7, %slice3A_8, %slice3A_9, %slice3A_10, %slice3A_11, %slice3A_12, %slice3A_13, %slice3A_14, %slice3A_15, %slice3A_16, %slice3A_17, %slice3A_18, %slice3A_19, %slice3A_20, %slice3A_21 in 1 : vector<1000x1xf32>, vector<1000x1xf32>, vector<1000x1xf32>, vector<1000x1xf32>, vector<1000x1xf32>, vector<1000x1xf32>, vector<1000x1xf32>, vector<1000x1xf32>, vector<1000x1xf32>, vector<1000x1xf32>, vector<1000x1xf32>, vector<1000x1xf32>, vector<1000x1xf32>, vector<1000x1xf32>, vector<1000x1xf32>, vector<1000x1xf32> -> vector<1000x16xf32>
    %swap3A = arith.constant 0 : index
    %swap3A_45 = arith.constant 0 : index
    %swap3A_46 = vector.load %arg3[%swap3A, %swap3A_45] : memref<1000x16xf32, #tpu.memory_space<vmem>>, vector<1000x16xf32>
    tpu.vector_store %arg3[%swap3A, %swap3A_45], %concatenate3A {strides = array<i32>} : memref<1000x16xf32, #tpu.memory_space<vmem>>, vector<1000x16xf32>,
    %broadcast_in_dim3A = arith.constant 0.000000e+00 : f32
    %broadcast_in_dim3A_47 = vector.broadcast %broadcast_in_dim3A : f32 to vector<1000x8xf32>
    %concatenate3A_48 = tpu.concatenate %sub3A, %sub3A_26, %sub3A_29, %sub3A_32, %sub3A_35, %sub3A_38, %sub3A_41, %sub3A_44, %broadcast_in_dim3A_47 in 1 : vector<1000x1xf32>, vector<1000x1xf32>, vector<1000x1xf32>, vector<1000x1xf32>, vector<1000x1xf32>, vector<1000x1xf32>, vector<1000x1xf32>, vector<1000x1xf32>, vector<1000x8xf32> -> vector<1000x16xf32>
    %swap3A_49 = arith.constant 0 : index
    %swap3A_50 = arith.constant 0 : index
    %swap3A_51 = vector.load %arg4[%swap3A_49, %swap3A_50] : memref<1000x16xf32, #tpu.memory_space<vmem>>, vector<1000x16xf32>
    tpu.vector_store %arg4[%swap3A_49, %swap3A_50], %concatenate3A_48 {strides = array<i32>} : memref<1000x16xf32, #tpu.memory_space<vmem>>, vector<1000x16xf32>,
    return
  }
  func.func @transform_0(%arg0: i32) -> (i32, i32, i32) {
    %c0_i32 = arith.constant 0 : i32
    %c0_i32_0 = arith.constant 0 : i32
    %c0_i32_1 = arith.constant 0 : i32
    return %c0_i32, %arg0, %c0_i32_0 : i32, i32, i32
  }
  func.func @transform_1(%arg0: i32) -> (i32, i32) {
    %c0_i32 = arith.constant 0 : i32
    %c0_i32_0 = arith.constant 0 : i32
    %c0_i32_1 = arith.constant 0 : i32
    return %c0_i32, %c0_i32_0 : i32, i32
  }
  func.func @transform_2(%arg0: i32) -> (i32, i32) {
    %c0_i32 = arith.constant 0 : i32
    %c0_i32_0 = arith.constant 0 : i32
    return %arg0, %c0_i32 : i32, i32
  }
  func.func @transform_3(%arg0: i32) -> (i32, i32) {
    %c0_i32 = arith.constant 0 : i32
    %c0_i32_0 = arith.constant 0 : i32
    return %arg0, %c0_i32 : i32, i32
  }
}

</mosaic_0001>

<sc_bundles>
// kernel: kernel.4.cloned.1.call-start
scs
__scs_entry_jumppad:
0x0: {  	(pc) =	sbr.rel $0x88, $3  }
0x1: {  	(tag) =	ssettag $0x0;
	lr =	simm.s32 $0x1  }
0x2: {  	[smem:$0x3F9C] =	sst lr;
	_ =	strace $0xD0000000  }
0x3: {  	_ = 	snop  }
0x4: {  	_ = 	snop  }
0x5: {  	_ = 	snop  }
0x6: {  	_ = 	snop  }
0x7: {  	_ = 	snop  }
__scs_overlays_trampoline_lowered:
0x8: {  	[smem:$0x3FAB] =	sst s0  }
0x9: {  	[smem:$0x3FAC] =	sst s1  }
0xa: {  	[smem:$0x3FAD] =	sst s2  }
0xb: {  	[smem:$0x3FAE] =	sst s3  }
0xc: {  	[smem:$0x3FAF] =	sst s4  }
0xd: {  	[smem:$0x3FB0] =	sst s5  }
0xe: {  	[smem:$0x3FB1] =	sst s6  }
0xf: {  	[smem:$0x3FB2] =	sst s7  }
0x10: {  	[smem:$0x3FB3] =	sst s8  }
0x11: {  	[smem:$0x3FB4] =	sst s9;
	s0 =	simm.s32 @!p0 $0x0  }
0x12: {  	s1 =	sld [smem:$0x3F9A];
	s0 =	simm.s32 @p0 $0x1  }
0x13: {  	[smem:$0x3FB5] =	sst s0;
	s0 =	simm.s32 @!p1 $0x0  }
0x14: {  	s2 =	sld [smem:$0x3F99];
	s0 =	simm.s32 @p1 $0x1  }
0x15: {  	[smem:$0x3FB6] =	sst s0;
	s0 =	simm.s32 @!p2 $0x0  }
0x16: {  	s3 =	sld [smem:$0x3FDB];
	s0 =	simm.s32 @p2 $0x1  }
0x17: {  	s4 =	simm.s32 $0x1BF5;
	[smem:$0x3FB8] =	sst s0  }
0x18: {  	s0 =	sld [smem:$0x3F9B];
	_ =	swait.ge [sflag:s4], $0x0  }
0x19: {  	s7 =	sld [smem:$0x3F9C]  }
0x1a: {  	s8 =	sadd.s32 $0xFFFFE003, lr  }
0x1b: {  	s9 =	sadd.s32 $0xFFFFFEF7, lr;
	s5 =	simm.s32 $0xFFFFFFFF;
	p2 =	slt.u32 s8, $0xFFFFF086  }
0x1c: {  	p1 =	slt.u32 s9, $0xF7A;
	s5 =	simm.s32 @!p2 $0x0  }
0x1d: {  	s5 =	simm.s32 @p1 $0x1;
	p0 =	seq.s32 s7, s2  }
0x1e: {  	s7 =	smul.u32 @!p0 $0xF7A, s2;
	p2 =	seq.s32 @!p0 s5, $0x0  }
0x1f: {  	s9 =	smul.u32 $0xF7A, s1;
	s8 =	simm.s32 @!p0 $0x1BF5;
	p2 =	por !p2, p0  }
0x20: {  	[sflag:s8] =	ssyncset.s32 @!p0 $0xFFFFF086;
	s6 =	sadd.s32 @!p0 s3, s7;
	s7 =	simm.s32 @!p0 $0x108  }
0x21: {  	s3 =	sadd.s32 s3, s9;
	s6 =	sadd.s32 @!p0 $0x88, s6;
	s7 =	simm.s32 @p2 $0x1082  }
0x22: {  	[simem:s7], [sflag:s8] =	dma.local @!p0 [hbm:s6], $0xF7A  }
0x23: {  	s9 =	sor.u32 $0xD0000000, s2;
	s6 =	simm.s32 $0x108;
	_ =	swait.ge @!p0 [sflag:s8], $0x0  }
0x24: {  	s3 =	sadd.s32 $0x88, s3;
	s6 =	simm.s32 @!p1 $0x1082;
	[sflag:s4] =	ssyncset.s32 $0xFFFFF086  }
0x25: {  	[simem:s6], [sflag:s4] =	dma.local [hbm:s3], $0xF7A  }
0x26: {  	[smem:$0x3F9C] =	sst s1;
	(tag) =	ssettag s2;
	_ =	strace s9  }
0x27: {  	s1 =	sld [smem:$0x3FAC]  }
0x28: {  	s2 =	sld [smem:$0x3FAD]  }
0x29: {  	s4 =	sld [smem:$0x3FAF]  }
0x2a: {  	p0 =	seq.s32 s5, $0x0;
	s5 =	sld [smem:$0x3FB0]  }
0x2b: {  	s6 =	sld [smem:$0x3FB1]  }
0x2c: {  	s7 =	sld [smem:$0x3FB2]  }
0x2d: {  	s3 =	simm.s32 $0x108;
	s8 =	sld [smem:$0x3FB3]  }
0x2e: {  	s3 =	simm.s32 @!p0 $0x1082;
	s9 =	sld [smem:$0x3FB4]  }
0x2f: {  	lr =	sadd.s32 s0, s3;
	s0 =	sld [smem:$0x3FAB]  }
0x30: {  	s3 =	sld [smem:$0x3FAE]  }
0x31: {  	[smem:$0x3FB7] =	sst s10  }
0x32: {  	s10 =	sld [smem:$0x3FB5];
	_ =	sdelay $0x3  }
0x33: {  	p0 =	seq.s32 s10, $0x1;
	s10 =	sld [smem:$0x3FB7];
	_ =	sdelay $0x3  }
0x34: {  	[smem:$0x3FB7] =	sst s10  }
0x35: {  	s10 =	sld [smem:$0x3FB6];
	_ =	sdelay $0x3  }
0x36: {  	p1 =	seq.s32 s10, $0x1;
	s10 =	sld [smem:$0x3FB7];
	_ =	sdelay $0x3  }
0x37: {  	[smem:$0x3FB7] =	sst s10  }
0x38: {  	s10 =	sld [smem:$0x3FB8]  }
0x39: {  	_ = 	snop;
	(pc) =	sbr.ind lr, $3  }
0x3a: {  	_ = 	snop  }
0x3b: {  	_ = 	snop  }
0x3c: {  	p2 =	seq.s32 s10, $0x1;
	s10 =	sld [smem:$0x3FB7]  }
0x3d: {  	_ =	shalt  }
0x3e: {  	_ =	shalt  }
0x3f: {  	_ =	shalt  }
0x40: {  	_ =	shalt  }
0x41: {  	_ =	shalt  }
0x42: {  	_ =	shalt  }
0x43: {  	_ =	shalt  }
0x44: {  	_ =	shalt  }
0x45: {  	_ =	shalt  }
0x46: {  	_ =	shalt  }
0x47: {  	_ =	shalt  }
0x48: {  	_ =	shalt  }
0x49: {  	_ =	shalt  }
0x4a: {  	_ =	shalt  }
0x4b: {  	_ =	shalt  }
0x4c: {  	_ =	shalt  }
0x4d: {  	_ =	shalt  }
0x4e: {  	_ =	shalt  }
0x4f: {  	_ =	shalt  }
0x50: {  	_ =	shalt  }
0x51: {  	_ =	shalt  }
0x52: {  	_ =	shalt  }
0x53: {  	_ =	shalt  }
0x54: {  	_ =	shalt  }
0x55: {  	_ =	shalt  }
0x56: {  	_ =	shalt  }
0x57: {  	_ =	shalt  }
0x58: {  	_ =	shalt  }
0x59: {  	_ =	shalt  }
0x5a: {  	_ =	shalt  }
0x5b: {  	_ =	shalt  }
0x5c: {  	_ =	shalt  }
0x5d: {  	_ =	shalt  }
0x5e: {  	_ =	shalt  }
0x5f: {  	_ =	shalt  }
0x60: {  	_ =	shalt  }
0x61: {  	_ =	shalt  }
0x62: {  	_ =	shalt  }
0x63: {  	_ =	shalt  }
0x64: {  	_ =	shalt  }
0x65: {  	_ =	shalt  }
0x66: {  	_ =	shalt  }
0x67: {  	_ =	shalt  }
0x68: {  	_ =	shalt  }
0x69: {  	_ =	shalt  }
0x6a: {  	_ =	shalt  }
0x6b: {  	_ =	shalt  }
0x6c: {  	_ =	shalt  }
0x6d: {  	_ =	shalt  }
0x6e: {  	_ =	shalt  }
0x6f: {  	_ =	shalt  }
0x70: {  	_ =	shalt  }
0x71: {  	_ =	shalt  }
0x72: {  	_ =	shalt  }
0x73: {  	_ =	shalt  }
0x74: {  	_ =	shalt  }
0x75: {  	_ =	shalt  }
0x76: {  	_ =	shalt  }
0x77: {  	_ =	shalt  }
0x78: {  	_ =	shalt  }
0x79: {  	_ =	shalt  }
0x7a: {  	_ =	shalt  }
0x7b: {  	_ =	shalt  }
0x7c: {  	_ =	shalt  }
0x7d: {  	_ =	shalt  }
0x7e: {  	_ =	shalt  }
0x7f: {  	_ =	shalt  }
0x80: {  	_ =	shalt  }
0x81: {  	_ =	shalt  }
0x82: {  	_ =	shalt  }
0x83: {  	_ =	shalt  }
0x84: {  	_ =	shalt  }
0x85: {  	_ =	shalt  }
0x86: {  	_ =	shalt  }
0x87: {  	_ =	shalt  }
.Lfunc_end0:
.L_simem_size_0:
called_computation_lowered:
.L_overlay_start_0:
0x88: {  	s0 =	sld [smem:$0x3FD9]  }
0x89: {  	s1 =	sld [smem:$0x3FFE];
	_ =	sdelay $0x3  }
0x8a: {  	s0 =	sadd.s32 s1, s0  }
0x8b: {  	[smem:$0x3FC3] =	sst s0  }
0x8c: {  	_ = 	snop  }
0x8d: {  	s0 =	sld [smem:$0x3FD0];
	(tm) =	ssettm $0x1  }
0x8e: {  	s16 =	sld [smem:$0x3FFB];
	_ =	sdelay $0x3  }
0x8f: {  	_ =	strace s16  }
0x90: {  	s1 =	sld [smem:$0x3FFC];
	_ =	sdelay $0x3  }
0x91: {  	_ =	strace s1  }
0x92: {  	s1 =	sld [smem:$0x3FFD];
	_ =	sdelay $0x3  }
0x93: {  	_ =	strace s1  }
0x94: {  	_ =	strace $0x8FFFFFFF  }
0x95: {  	s17 =	sld [smem:$0x3FDB];
	_ =	sdelay $0x1  }
0x96: {  	s2 =	simm.s32 $_scs_section_size  }
0x97: {  	s3 =	simm.s32 $_size__tile_overlayer_lowered;
	s4 =	simm.s32 $_tile_overlayer_lowered  }
0x98: {  	s20 =	simm.s32 $0x1BFF;
	s19 =	sshll.u32 s4, $0x1;
	s1 =	sadd.s32 s2, s17  }
0x99: {  	s5 =	simm.s32 $0x0;
	s18 =	sshll.u32 s3, $0x1;
	s3 =	sadd.s32 s19, s1  }
0x9a: {  	[timem:s5], [sflag:s20] =	dma.local [hbm:s3], s18  }
0x9b: {  	_ =	swait.ge [sflag:s20], s18  }
0x9c: {  	s2 =	ssub.s32 $0x0, s18;
	[sflag:s20] =	ssyncset.done $0x0  }
0x9d: {  	[sflag:s20] =	ssyncadd.s32 s2;
	_ =	sdelay $0x1  }
0x9e: {  	s21 =	simm.s32 $0x1B8B  }
0x9f: {  	_ =	swait.ge [sflag:s21], $0x1  }
0xa0: {  	[sflag:s21] =	ssyncset.done $0x0  }
0xa1: {  	s23 =	simm.s32 $0x1B8E;
	s22 =	sld [smem:$0x3FFE];
	[sflag:s21] =	ssyncadd.s32 $0xFFFFFFFF  }
0xa2: {  	s24 =	simm.s32 $execute0_lowered;
	[smem:$0x3FD2] =	sst s23  }
0xa3: {  	s3 =	sshll.u32 s24, $0x1;
	_ =	strace $0x80000046;
	[dreg:$0x1] =	wrdreg $0xFFFFFFFF  }
0xa4: {  	s25 =	simm.s32 $_size_execute0_lowered;
	s1 =	sadd.s32 s1, s3;
	[dreg:$0x0] =	wrdreg $0x0  }
0xa5: {  	s3 =	sshll.u32 s25, $0x1;
	[dreg:$0x2] =	wrdreg s1  }
0xa6: {  	[dreg:$0x3] =	wrdreg s3  }
0xa7: {  	[dreg:$0x4] =	wrdreg $0xC0  }
0xa8: {  	_ =	task [dreg:s5], $0x5FFFF  }
0xa9: {  	[dreg:$0x1] =	wrdreg $0xFFFFFFFF  }
0xaa: {  	[dreg:$0x0] =	wrdreg $0x60  }
0xab: {  	[dreg:$0x2] =	wrdreg s22  }
0xac: {  	[dreg:$0x3] =	wrdreg s0  }
0xad: {  	[dreg:$0x4] =	wrdreg $0x0  }
0xae: {  	[dreg:$0x5] =	wrdreg $0x2800  }
0xaf: {  	[dreg:$0x6] =	wrdreg $0x5000  }
0xb0: {  	[dreg:$0x7] =	wrdreg $0x2D000  }
0xb1: {  	[dreg:$0x8] =	wrdreg $0x55000  }
0xb2: {  	[dreg:$0x9] =	wrdreg $0x7D000  }
0xb3: {  	[dreg:$0xa] =	wrdreg $0x9  }
0xb4: {  	_ =	task.clear_ibuf [dreg:s5], $0xBFFFF;
	_ =	strace $0x90000046  }
0xb5: {  	s26 =	simm.s32 $0x9;
	_ =	strace $0x80000048  }
0xb6: {  	_ =	swait.ge [sflag:s26], $0x1  }
0xb7: {  	[sflag:s26] =	ssyncadd.s32 $0xFFFFFFFF  }
0xb8: {  	_ =	strace $0x90000048  }
0xb9: {  	_ =	sfence  }
0xba: {  	s28 =	sld [smem:$0x0];
	_ =	sdelay $0x1  }
0xbb: {  	s29 =	srdreg.scid  }
0xbc: {  	s30 =	sshll.u32 s29, $0xD;
	s31 =	sshrl.u32 s29, $0x2  }
0xbd: {  	s2 =	sand.u32 $0x4000, s30;
	s1 =	sand.u32 $0x1, s29;
	s0 =	sadd.s32 s31, s28  }
0xbe: {  	s1 =	sor.u32 s2, s1;
	s0 =	sshll.u32 s0, $0x11  }
0xbf: {  	s0 =	sor.u32 s0, s1  }
0xc0: {  	s0 =	sadd.s32 $0x8F2B, s0  }
0xc1: {  	[sflag:s0] =	ssyncadd.remote.s32 $0x1  }
0xc2: {  	_ =	sfence.sel $0xFFFF  }
0xc3: {  	[dreg:$0x0] =	wrdreg $0xFFFFFFFF;
	(pc) =	sbr.abs _section_cstart, $3  }
0xc4: {  	[dreg:$0x1] =	wrdreg $0xFFFFFFFF  }
0xc5: {  	_ =	task.clear_ibuf [dreg:s5], $0x2FFFF;
	_ =	strace $0x9FFFFFFF  }
0xc6: {  	(tm) =	ssettm $0x7FFFFFFF  }
0xc7: {  	_ =	shalt  }
tec
execute0_lowered:
.L_overlay_start_1:
0x0: {  	(tag) =	ssettag $0x1  }
0x1: {  	s10 =	rddreg [dreg:$0x0]  }
0x2: {  	s13 =	rddreg [dreg:$0x1]  }
0x3: {  	s12 =	rddreg [dreg:$0x2]  }
0x4: {  	s9 =	rddreg [dreg:$0x3]  }
0x5: {  	s4 =	rddreg [dreg:$0x4]  }
0x6: {  	s7 =	rddreg [dreg:$0x5]  }
0x7: {  	s3 =	rddreg [dreg:$0x6]  }
0x8: {  	s8 =	rddreg [dreg:$0x7]  }
0x9: {  	s0 =	rddreg [dreg:$0x8];
	s1 =	simm.s32 $0x0  }
0xa: {  	s14 =	simm.s32 $0x40;
	s15 =	simm.s32 $0x0;
	[smem:$0x7FF] =	sst s1  }
0xb: {  	s5 =	sadd.s32 $0x13E00, s10;
	s6 =	sadd.s32 $0xA000, s10;
	s11 =	sadd.s32 $0x5000, s10  }
0xc: {  	v0 =	vimm.f32 $1.000000000e+00;
	s2 =	sadd.s32 $0x1DC00, s10;
	s1 =	stileid.u32;
	_ =	strace $0x80000047  }
.LBB2_1:
0xd: {  	p0 =	sne.s32 s14, $0xC40;
	[tilespmem:s15+$0xDD40] =	vst v0;
	s15 =	smov.u32 s14;
	s14 =	sadd.s32 $0x40, s14  }
.Ltmp0:
0xe: {  	(pc) =	sbr.rel @p0 .LBB2_1-.Ltmp0, $2  }
0xf: {  	_ =	sdelay $0x2  }
0x10: {  	s15 =	sshra.s32 s15, $0x2  }
0x11: {  	[tilespmem:s15+$0xDD40] =	vst v0;
	v0 =	vimm.f32 $0.0e+00  }
0x12: {  	[tilespmem:$0xE060] =	vst v0  }
0x13: {  	[tilespmem:$0xE070] =	vst v0  }
0x14: {  	[tilespmem:$0xE080] =	vst v0  }
0x15: {  	[tilespmem:$0xE090] =	vst v0  }
0x16: {  	[tilespmem:$0xE0A0] =	vst v0  }
0x17: {  	[tilespmem:$0xE0B0] =	vst v0  }
0x18: {  	[tilespmem:$0xE0C0] =	vst v0  }
0x19: {  	[tilespmem:$0xE0D0] =	vst v0  }
0x1a: {  	[tilespmem:$0xE0E0] =	vst v0  }
0x1b: {  	[tilespmem:$0xE0F0] =	vst v0  }
0x1c: {  	[tilespmem:$0xE100] =	vst v0  }
0x1d: {  	[tilespmem:$0xE110] =	vst v0  }
0x1e: {  	[tilespmem:$0xE120] =	vst v0  }
0x1f: {  	[tilespmem:$0xE130] =	vst v0  }
0x20: {  	[tilespmem:$0xE140] =	vst v0  }
0x21: {  	[tilespmem:$0xE150] =	vst v0  }
0x22: {  	[tilespmem:$0xE160] =	vst v0  }
0x23: {  	[tilespmem:$0xE170] =	vst v0  }
0x24: {  	[tilespmem:$0xE180] =	vst v0  }
0x25: {  	[tilespmem:$0xE190] =	vst v0  }
0x26: {  	[tilespmem:$0xE1A0] =	vst v0  }
0x27: {  	[tilespmem:$0xE1B0] =	vst v0  }
0x28: {  	[tilespmem:$0xE1C0] =	vst v0  }
0x29: {  	[tilespmem:$0xE1D0] =	vst v0  }
0x2a: {  	[tilespmem:$0xE1E0] =	vst v0  }
0x2b: {  	[tilespmem:$0xE1F0] =	vst v0  }
0x2c: {  	[tilespmem:$0xE200] =	vst v0  }
0x2d: {  	[tilespmem:$0xE210] =	vst v0  }
0x2e: {  	[tilespmem:$0xE220] =	vst v0  }
0x2f: {  	[tilespmem:$0xE230] =	vst v0  }
0x30: {  	[tilespmem:$0xE240] =	vst v0  }
0x31: {  	[tilespmem:$0xE250] =	vst v0  }
0x32: {  	[tilespmem:$0xE260] =	vst v0  }
0x33: {  	[tilespmem:$0xE270] =	vst v0  }
0x34: {  	[tilespmem:$0xE280] =	vst v0  }
0x35: {  	[tilespmem:$0xE290] =	vst v0  }
0x36: {  	[tilespmem:$0xE2A0] =	vst v0  }
0x37: {  	[tilespmem:$0xE2B0] =	vst v0  }
0x38: {  	[tilespmem:$0xE2C0] =	vst v0  }
0x39: {  	s14 =	simm.s32 $0x40;
	s15 =	simm.s32 $0x0;
	[tilespmem:$0xE2D0] =	vst v0  }
.LBB2_3:
0x3a: {  	p0 =	sne.s32 s14, $0x9FC0;
	[tilespmem:s15+$0xE2E0] =	vst v0;
	s15 =	smov.u32 s14;
	s14 =	sadd.s32 $0x40, s14  }
.Ltmp1:
0x3b: {  	(pc) =	sbr.rel @p0 .LBB2_3-.Ltmp1, $2  }
0x3c: {  	_ =	sdelay $0x2  }
0x3d: {  	s15 =	sshra.s32 s15, $0x2  }
0x3e: {  	[tilespmem:s15+$0xE2E0] =	vst v0;
	s16 =	simm.s32 $0x0;
	s14 =	simm.s32 $0x1D7E0  }
0x3f: {  	[tilespmem:s14], [sflag:$0x1] =	stream.linear.gather [hbm4b:s13+s16], $0x40, $0x38;
	[tilespmem:$0x1D820] =	vst v63  }
0x40: {  	s13 =	simm.s32 $0x1  }
0x41: {  	s30 =	smul.u32 $0x280, s1;
	_ =	swait.ge [sflag:s13], $0x40  }
0x42: {  	[sflag:s13] =	ssyncset.done $0x0  }
0x43: {  	s17 =	simm.s32 $0xE060;
	s14 =	sadd.s32 s30, s12;
	[sflag:s13] =	ssyncadd.s32 $0xFFFFFFC0  }
0x44: {  	[spmem:s14] =	stream.linear.scatter [tilespmem:s17], [sflag:$0x1], $0x280, $0x38;
	[tilespmem:$0x1D820] =	vst v63  }
0x45: {  	_ =	swait.ge [sflag:s13], $0x280  }
0x46: {  	[sflag:s13] =	ssyncset.done $0x0  }
0x47: {  	s15 =	sadd.s32 s30, s9;
	[sflag:s13] =	ssyncadd.s32 $0xFFFFFD80  }
0x48: {  	[spmem:s15] =	stream.linear.scatter [tilespmem:s17], [sflag:$0x1], $0x280, $0x38;
	[tilespmem:$0x1D820] =	vst v63  }
0x49: {  	s18 =	smul.u32 $0x9C4, s1;
	_ =	swait.ge [sflag:s13], $0x280  }
0x4a: {  	[sflag:s13] =	ssyncset.done $0x0  }
0x4b: {  	s5 =	sadd.s32 s18, s5;
	[sflag:s13] =	ssyncadd.s32 $0xFFFFFD80  }
0x4c: {  	s19 =	sadd.s32 $0x0, s5;
	s17 =	simm.s32 $0xA500;
	[bflag:$0x0] =	sbarrier.arrive $0xFFFF  }
0x4d: {  	[tilespmem:s17], [sflag:$0x1] =	stream.linear.gather [hbm4b:s19+s16], $0x320, $0x38;
	[tilespmem:$0x1D820] =	vst v63  }
0x4e: {  	_ =	swait.ge [sflag:s13], $0x320  }
0x4f: {  	s6 =	sadd.s32 s18, s6;
	[sflag:s13] =	ssyncset.done $0x0  }
0x50: {  	s18 =	simm.s32 $0xA820;
	s31 =	sadd.s32 $0x0, s6;
	[sflag:s13] =	ssyncadd.s32 $0xFFFFFCE0  }
0x51: {  	[tilespmem:s18], [sflag:$0x1] =	stream.linear.gather [hbm4b:s31+s16], $0x320, $0x38;
	[tilespmem:$0x1D820] =	vst v63  }
0x52: {  	_ =	swait.ge [sflag:s13], $0x320  }
0x53: {  	[sflag:s13] =	ssyncset.done $0x0  }
0x54: {  	s20 =	simm.s32 $0xDD40;
	s19 =	simm.s32 $0x320;
	[sflag:s13] =	ssyncadd.s32 $0xFFFFFCE0  }
0x55: {  	[spmem:s12] =	stream.indirect.scatter.add.f32 [tilespmem:s20], [sflag:$0x1], $0x1, s17, s19, $0xb8;
	[tilespmem:$0x1D820] =	vst v63  }
0x56: {  	_ =	swait.ge [sflag:s13], $0x320  }
0x57: {  	[sflag:s13] =	ssyncset.done $0x0  }
0x58: {  	[sflag:s13] =	ssyncadd.s32 $0xFFFFFCE0  }
0x59: {  	[spmem:s9] =	stream.indirect.scatter.add.f32 [tilespmem:s20], [sflag:$0x1], $0x1, s18, s19, $0xb8;
	[tilespmem:$0x1D820] =	vst v63  }
0x5a: {  	_ =	swait.ge [sflag:s13], $0x320  }
0x5b: {  	s21 =	simm.s32 $0x64;
	s22 =	simm.s32 $0xC8;
	[sflag:s13] =	ssyncset.done $0x0  }
.LBB2_5:
0x5c: {  	s23 =	sadd.s32 s21, s5  }
0x5d: {  	[sflag:s13] =	ssyncadd.s32 $0xFFFFFCE0;
	s24 =	smov.u32 s22;
	s25 =	sadd.s32 $0x64, s22  }
0x5e: {  	[tilespmem:s17], [sflag:$0x1] =	stream.linear.gather [hbm4b:s23+s16], $0x320, $0x38;
	[tilespmem:$0x1D820] =	vst v63  }
0x5f: {  	p0 =	sne.s32 s22, $0x960;
	_ =	swait.ge [sflag:s13], $0x320  }
0x60: {  	[sflag:s13] =	ssyncset.done $0x0  }
0x61: {  	s22 =	sadd.s32 s21, s6;
	s21 =	smov.u32 s24;
	[sflag:s13] =	ssyncadd.s32 $0xFFFFFCE0  }
0x62: {  	[tilespmem:s18], [sflag:$0x1] =	stream.linear.gather [hbm4b:s22+s16], $0x320, $0x38;
	[tilespmem:$0x1D820] =	vst v63  }
0x63: {  	_ =	swait.ge [sflag:s13], $0x320  }
0x64: {  	[sflag:s13] =	ssyncset.done $0x0  }
0x65: {  	[sflag:s13] =	ssyncadd.s32 $0xFFFFFCE0  }
0x66: {  	[spmem:s12] =	stream.indirect.scatter.add.f32 [tilespmem:s20], [sflag:$0x1], $0x1, s17, s19, $0xb8;
	[tilespmem:$0x1D820] =	vst v63  }
0x67: {  	_ =	swait.ge [sflag:s13], $0x320  }
.Ltmp2:
0x68: {  	[sflag:s13] =	ssyncset.done $0x0;
	(pc) =	sbr.rel @p0 .LBB2_5-.Ltmp2, $4  }
0x69: {  	[sflag:s13] =	ssyncadd.s32 $0xFFFFFCE0  }
0x6a: {  	[spmem:s9] =	stream.indirect.scatter.add.f32 [tilespmem:s20], [sflag:$0x1], $0x1, s18, s19, $0xb8;
	[tilespmem:$0x1D820] =	vst v63  }
0x6b: {  	_ =	swait.ge [sflag:s13], $0x320  }
0x6c: {  	s22 =	smov.u32 s25;
	[sflag:s13] =	ssyncset.done $0x0  }
0x6d: {  	s22 =	sadd.s32 s21, s5;
	[sflag:s13] =	ssyncadd.s32 $0xFFFFFCE0  }
0x6e: {  	[tilespmem:s17], [sflag:$0x1] =	stream.linear.gather [hbm4b:s22+s16], $0x320, $0x38;
	[tilespmem:$0x1D820] =	vst v63  }
0x6f: {  	_ =	swait.ge [sflag:s13], $0x320  }
0x70: {  	[sflag:s13] =	ssyncset.done $0x0  }
0x71: {  	s28 =	sadd.s32 s21, s6;
	[sflag:s13] =	ssyncadd.s32 $0xFFFFFCE0  }
0x72: {  	[tilespmem:s18], [sflag:$0x1] =	stream.linear.gather [hbm4b:s28+s16], $0x320, $0x38;
	[tilespmem:$0x1D820] =	vst v63  }
0x73: {  	_ =	swait.ge [sflag:s13], $0x320  }
0x74: {  	[sflag:s13] =	ssyncset.done $0x0  }
0x75: {  	[sflag:s13] =	ssyncadd.s32 $0xFFFFFCE0  }
0x76: {  	[spmem:s12] =	stream.indirect.scatter.add.f32 [tilespmem:s20], [sflag:$0x1], $0x1, s17, s19, $0xb8;
	[tilespmem:$0x1D820] =	vst v63  }
0x77: {  	_ =	swait.ge [sflag:s13], $0x320  }
0x78: {  	[sflag:s13] =	ssyncset.done $0x0  }
0x79: {  	[sflag:s13] =	ssyncadd.s32 $0xFFFFFCE0  }
0x7a: {  	[spmem:s9] =	stream.indirect.scatter.add.f32 [tilespmem:s20], [sflag:$0x1], $0x1, s18, s19, $0xb8;
	[tilespmem:$0x1D820] =	vst v63  }
0x7b: {  	_ =	swait.ge [sflag:s13], $0x320  }
0x7c: {  	[sflag:s13] =	ssyncset.done $0x0  }
0x7d: {  	[sflag:s13] =	ssyncadd.s32 $0xFFFFFCE0  }
0x7e: {  	s29 =	simm.s32 $0x1D2E0;
	s30 =	simm.s32 $0x1;
	[bflag:$0x0] =	sbarrier.arrive $0xFFFF  }
0x7f: {  	[tilespmem:s29], [sflag:$0x1] =	stream.linear.gather [spmem:s14], $0x280, $0x38;
	[tilespmem:$0x1D820] =	vst v63  }
0x80: {  	_ =	swait.ge [sflag:s30], $0x280  }
0x81: {  	[sflag:s30] =	ssyncset.done $0x0  }
0x82: {  	s31 =	simm.s32 $0x1D560;
	[sflag:s30] =	ssyncadd.s32 $0xFFFFFD80  }
0x83: {  	[tilespmem:s31], [sflag:$0x1] =	stream.linear.gather [spmem:s15], $0x280, $0x38;
	[tilespmem:$0x1D820] =	vst v63  }
0x84: {  	_ =	swait.ge [sflag:s30], $0x280  }
0x85: {  	[sflag:s30] =	ssyncset.done $0x0  }
0x86: {  	s12 =	simm.s32 $0x40;
	s9 =	simm.s32 $0x0;
	[sflag:s30] =	ssyncadd.s32 $0xFFFFFD80  }
.LBB2_7:
0x87: {  	p0 =	sne.s32 s12, $0x9C0;
	v0 =	vld [tilespmem:s9+$0x1D2E0];
	_ =	sdelay $0x4  }
0x88: {  	v0 =	vmax.f32 v0, $1.000000000e+00  }
0x89: {  	v1 =	vshrl.u32 v0, $0x1;
	v0 =	vmul.f32 $5.000000000e-01, v0  }
0x8a: {  	v1 =	vsub.s32 $0x5F3759DF, v1  }
0x8b: {  	v2 =	vmul.f32 v1, v0;
	_ =	sdelay $0x1  }
0x8c: {  	v2 =	vmul.f32 v1, v2;
	_ =	sdelay $0x1  }
0x8d: {  	v2 =	vsub.f32 $1.500000000e+00, v2;
	_ =	sdelay $0x1  }
0x8e: {  	v1 =	vmul.f32 v1, v2;
	_ =	sdelay $0x1  }
0x8f: {  	v2 =	vmul.f32 v1, v0;
	_ =	sdelay $0x1  }
0x90: {  	v2 =	vmul.f32 v2, v1;
	_ =	sdelay $0x1  }
0x91: {  	v2 =	vsub.f32 $1.500000000e+00, v2;
	_ =	sdelay $0x1  }
0x92: {  	v1 =	vmul.f32 v2, v1;
	_ =	sdelay $0x1  }
0x93: {  	v0 =	vmul.f32 v1, v0;
	_ =	sdelay $0x1  }
0x94: {  	v0 =	vmul.f32 v0, v1;
	_ =	sdelay $0x1  }
.Ltmp3:
0x95: {  	v0 =	vsub.f32 $1.500000000e+00, v0;
	(pc) =	sbr.rel @p0 .LBB2_7-.Ltmp3, $3  }
0x96: {  	_ = 	snop  }
0x97: {  	v0 =	vmul.f32 v0, v1;
	_ =	sdelay $0x1  }
0x98: {  	[tilespmem:s9+$0x1D2E0] =	vst v0;
	s9 =	sshra.s32 s12, $0x2;
	s12 =	sadd.s32 $0x40, s12  }
0x99: {  	v0 =	vld [tilespmem:s9+$0x1D2E0];
	_ =	sdelay $0x4  }
0x9a: {  	v0 =	vmax.f32 v0, $1.000000000e+00  }
0x9b: {  	v1 =	vshrl.u32 v0, $0x1;
	v0 =	vmul.f32 $5.000000000e-01, v0  }
0x9c: {  	v1 =	vsub.s32 $0x5F3759DF, v1  }
0x9d: {  	v2 =	vmul.f32 v1, v0;
	_ =	sdelay $0x1  }
0x9e: {  	v2 =	vmul.f32 v1, v2;
	_ =	sdelay $0x1  }
0x9f: {  	v2 =	vsub.f32 $1.500000000e+00, v2;
	_ =	sdelay $0x1  }
0xa0: {  	v1 =	vmul.f32 v1, v2;
	_ =	sdelay $0x1  }
0xa1: {  	v2 =	vmul.f32 v1, v0;
	_ =	sdelay $0x1  }
0xa2: {  	v2 =	vmul.f32 v2, v1;
	_ =	sdelay $0x1  }
0xa3: {  	v2 =	vsub.f32 $1.500000000e+00, v2;
	_ =	sdelay $0x1  }
0xa4: {  	v1 =	vmul.f32 v2, v1;
	_ =	sdelay $0x1  }
0xa5: {  	v0 =	vmul.f32 v1, v0;
	_ =	sdelay $0x1  }
0xa6: {  	v0 =	vmul.f32 v0, v1;
	_ =	sdelay $0x1  }
0xa7: {  	v0 =	vsub.f32 $1.500000000e+00, v0;
	_ =	sdelay $0x1  }
0xa8: {  	v0 =	vmul.f32 v0, v1;
	_ =	sdelay $0x1  }
0xa9: {  	s12 =	simm.s32 $0x40;
	[tilespmem:s9+$0x1D2E0] =	vst v0;
	s9 =	simm.s32 $0x0  }
.LBB2_9:
0xaa: {  	p0 =	sne.s32 s12, $0x9C0;
	v0 =	vld [tilespmem:s9+$0x1D560];
	_ =	sdelay $0x4  }
0xab: {  	v0 =	vmax.f32 v0, $1.000000000e+00  }
0xac: {  	v1 =	vshrl.u32 v0, $0x1;
	v0 =	vmul.f32 $5.000000000e-01, v0  }
0xad: {  	v1 =	vsub.s32 $0x5F3759DF, v1  }
0xae: {  	v2 =	vmul.f32 v1, v0;
	_ =	sdelay $0x1  }
0xaf: {  	v2 =	vmul.f32 v1, v2;
	_ =	sdelay $0x1  }
0xb0: {  	v2 =	vsub.f32 $1.500000000e+00, v2;
	_ =	sdelay $0x1  }
0xb1: {  	v1 =	vmul.f32 v1, v2;
	_ =	sdelay $0x1  }
0xb2: {  	v2 =	vmul.f32 v1, v0;
	_ =	sdelay $0x1  }
0xb3: {  	v2 =	vmul.f32 v2, v1;
	_ =	sdelay $0x1  }
0xb4: {  	v2 =	vsub.f32 $1.500000000e+00, v2;
	_ =	sdelay $0x1  }
0xb5: {  	v1 =	vmul.f32 v2, v1;
	_ =	sdelay $0x1  }
0xb6: {  	v0 =	vmul.f32 v1, v0;
	_ =	sdelay $0x1  }
0xb7: {  	v0 =	vmul.f32 v0, v1;
	_ =	sdelay $0x1  }
.Ltmp4:
0xb8: {  	v0 =	vsub.f32 $1.500000000e+00, v0;
	(pc) =	sbr.rel @p0 .LBB2_9-.Ltmp4, $3  }
0xb9: {  	_ = 	snop  }
0xba: {  	v0 =	vmul.f32 v0, v1;
	_ =	sdelay $0x1  }
0xbb: {  	[tilespmem:s9+$0x1D560] =	vst v0;
	s9 =	sshra.s32 s12, $0x2;
	s12 =	sadd.s32 $0x40, s12  }
0xbc: {  	v0 =	vld [tilespmem:s9+$0x1D560];
	_ =	sdelay $0x4  }
0xbd: {  	v0 =	vmax.f32 v0, $1.000000000e+00  }
0xbe: {  	v1 =	vshrl.u32 v0, $0x1;
	v0 =	vmul.f32 $5.000000000e-01, v0  }
0xbf: {  	v1 =	vsub.s32 $0x5F3759DF, v1  }
0xc0: {  	v2 =	vmul.f32 v1, v0;
	_ =	sdelay $0x1  }
0xc1: {  	v2 =	vmul.f32 v1, v2;
	_ =	sdelay $0x1  }
0xc2: {  	v2 =	vsub.f32 $1.500000000e+00, v2;
	_ =	sdelay $0x1  }
0xc3: {  	v1 =	vmul.f32 v1, v2;
	_ =	sdelay $0x1  }
0xc4: {  	v2 =	vmul.f32 v1, v0;
	_ =	sdelay $0x1  }
0xc5: {  	v2 =	vmul.f32 v2, v1;
	_ =	sdelay $0x1  }
0xc6: {  	v2 =	vsub.f32 $1.500000000e+00, v2;
	_ =	sdelay $0x1  }
0xc7: {  	v1 =	vmul.f32 v2, v1;
	_ =	sdelay $0x1  }
0xc8: {  	v0 =	vmul.f32 v1, v0;
	_ =	sdelay $0x1  }
0xc9: {  	v0 =	vmul.f32 v0, v1  }
0xca: {  	s12 =	simm.s32 $0x0  }
0xcb: {  	v2 =	vmov s12;
	v0 =	vsub.f32 $1.500000000e+00, v0;
	_ =	sdelay $0x1  }
0xcc: {  	v0 =	vmul.f32 v0, v1;
	_ =	sdelay $0x1  }
0xcd: {  	[tilespmem:s9+$0x1D560] =	vst v0;
	s9 =	simm.s32 $0x1D2E0  }
0xce: {  	s12 =	simm.s32 $0x1D560;
	v0 =	vld.idx.msk [tilespmem:v2+s9+$0x0], $0xffff  }
0xcf: {  	s13 =	simm.s32 $0x1;
	v1 =	vld.idx.msk [tilespmem:v2+s12+$0x0], $0xffff  }
0xd0: {  	v3 =	vmov s13;
	_ =	sdelay $0x1  }
0xd1: {  	s14 =	simm.s32 $0x182E0  }
0xd2: {  	s13 =	simm.s32 $0x1AAE0;
	[tilespmem:s14+$0x0] =	vst v0  }
0xd3: {  	[tilespmem:s13+$0x0] =	vst v1  }
0xd4: {  	v2 =	vld.idx.msk [tilespmem:v3+s9+$0x0], $0xffff  }
0xd5: {  	s15 =	simm.s32 $0x2;
	v1 =	vld.idx.msk [tilespmem:v3+s12+$0x0], $0xffff  }
0xd6: {  	v0 =	vmov s15  }
0xd7: {  	s15 =	simm.s32 $0x3  }
.LBB2_11:
0xd8: {  	p0 =	sne.s32 s15, $0x27F;
	s14 =	sadd.s32 $0x10, s14  }
0xd9: {  	s13 =	sadd.s32 $0x10, s13;
	[tilespmem:s14+$0x0] =	vst v2  }
0xda: {  	[tilespmem:s13+$0x0] =	vst v1  }
.Ltmp5:
0xdb: {  	v2 =	vld.idx.msk [tilespmem:v0+s9+$0x0], $0xffff;
	(pc) =	sbr.rel @p0 .LBB2_11-.Ltmp5, $3  }
0xdc: {  	v1 =	vld.idx.msk [tilespmem:v0+s12+$0x0], $0xffff;
	_ =	sdelay $0x1  }
0xdd: {  	v0 =	vmov s15  }
0xde: {  	s15 =	sadd.s32 $0x1, s15  }
0xdf: {  	_ = 	snop  }
0xe0: {  	s14 =	sadd.s32 $0x10, s14  }
0xe1: {  	s13 =	sadd.s32 $0x10, s13;
	[tilespmem:s14+$0x0] =	vst v2  }
0xe2: {  	[tilespmem:s13+$0x0] =	vst v1  }
0xe3: {  	v1 =	vld.idx.msk [tilespmem:v0+s9+$0x0], $0xffff  }
0xe4: {  	v0 =	vld.idx.msk [tilespmem:v0+s12+$0x0], $0xffff;
	_ =	sdelay $0x2  }
0xe5: {  	s26 =	sadd.s32 $0x10, s14  }
0xe6: {  	s28 =	sadd.s32 $0x10, s13;
	[tilespmem:s26+$0x0] =	vst v1  }
0xe7: {  	s14 =	smul.u32 $0x2800, s1;
	[tilespmem:s28+$0x0] =	vst v0  }
0xe8: {  	v0 =	vld [tilespmem:$0x1D7E0]  }
0xe9: {  	s29 =	simm.s32 $0x0;
	s9 =	sshrl.u32 s14, $0x3;
	v1 =	vld [tilespmem:$0x1D7F0]  }
0xea: {  	s30 =	simm.s32 $0x10AE0;
	s31 =	simm.s32 $0x1;
	s11 =	sadd.s32 s11, s9;
	v2 =	vld [tilespmem:$0x1D800]  }
0xeb: {  	v3 =	vld [tilespmem:$0x1D810];
	[tilespmem:s30], [sflag:$0x1] =	stream.linear.gather [hbm4b:s11+s29], $0x2800, $0x38  }
0xec: {  	_ =	swait.ge [sflag:s31], $0x2800  }
0xed: {  	[sflag:s31] =	ssyncset.done $0x0  }
0xee: {  	s11 =	simm.s32 $0x0;
	[sflag:s31] =	ssyncadd.s32 $0xFFFFD800  }
0xef: {  	s12 =	simm.s32 $0x40;
	v4 =	vld [tilespmem:s11+$0x1AAE0]  }
.LBB2_13:
0xf0: {  	p0 =	sne.s32 s12, $0x9FC0;
	v5 =	vld [tilespmem:s11+$0x10AE0];
	_ =	sdelay $0x2  }
.Ltmp6:
0xf1: {  	(pc) =	sbr.rel @p0 .LBB2_13-.Ltmp6, $4  }
0xf2: {  	_ = 	snop  }
0xf3: {  	v5 =	vmul.f32 v4, v5  }
0xf4: {  	s13 =	sshra.s32 s12, $0x2  }
0xf5: {  	s12 =	sadd.s32 $0x40, s12;
	v4 =	vld [tilespmem:s13+$0x1AAE0];
	[tilespmem:s11+$0x10AE0] =	vst v5;
	s11 =	smov.u32 s13  }
0xf6: {  	v5 =	vld [tilespmem:s11+$0x10AE0];
	_ =	sdelay $0x4  }
0xf7: {  	v4 =	vmul.f32 v4, v5;
	_ =	sdelay $0x1  }
0xf8: {  	s12 =	sadd.s32 s14, s4;
	s31 =	simm.s32 $0x10AE0;
	s13 =	simm.s32 $0x1;
	[tilespmem:s11+$0x10AE0] =	vst v4  }
0xf9: {  	[spmem:s12] =	stream.linear.scatter [tilespmem:s31], [sflag:$0x1], $0x2800, $0x38;
	[tilespmem:$0x1D820] =	vst v63  }
0xfa: {  	_ =	swait.ge [sflag:s13], $0x2800  }
0xfb: {  	[sflag:s13] =	ssyncset.done $0x0  }
0xfc: {  	s15 =	simm.s32 $0xE2E0;
	s11 =	sadd.s32 s14, s7;
	[sflag:s13] =	ssyncadd.s32 $0xFFFFD800  }
0xfd: {  	[spmem:s11] =	stream.linear.scatter [tilespmem:s15], [sflag:$0x1], $0x2800, $0x38;
	[tilespmem:$0x1D820] =	vst v63  }
0xfe: {  	_ =	swait.ge [sflag:s13], $0x2800  }
0xff: {  	[sflag:s13] =	ssyncset.done $0x0  }
0x100: {  	s18 =	simm.s32 $0xA820;
	[sflag:s13] =	ssyncadd.s32 $0xFFFFD800  }
0x101: {  	s16 =	sadd.s32 $0x0, s6;
	s15 =	simm.s32 $0x0;
	[bflag:$0x0] =	sbarrier.arrive $0xFFFF  }
0x102: {  	[tilespmem:s18], [sflag:$0x1] =	stream.linear.gather [hbm4b:s16+s15], $0x320, $0x38;
	[tilespmem:$0x1D820] =	vst v63  }
0x103: {  	_ =	swait.ge [sflag:s13], $0x320  }
0x104: {  	[sflag:s13] =	ssyncset.done $0x0  }
0x105: {  	s17 =	simm.s32 $0xAB40;
	s16 =	simm.s32 $0x320;
	[sflag:s13] =	ssyncadd.s32 $0xFFFFFCE0  }
0x106: {  	[tilespmem:s17], [sflag:$0x1] =	stream.indirect.gather [spmem:s4], $0x10, s18, s16, $0xb8;
	[tilespmem:$0x1D820] =	vst v63  }
0x107: {  	_ =	swait.ge [sflag:s13], $0x3200  }
0x108: {  	[sflag:s13] =	ssyncset.done $0x0  }
0x109: {  	s19 =	simm.s32 $0xA500;
	s20 =	sadd.s32 $0x0, s5;
	[sflag:s13] =	ssyncadd.s32 $0xFFFFCE00  }
0x10a: {  	[tilespmem:s19], [sflag:$0x1] =	stream.linear.gather [hbm4b:s20+s15], $0x320, $0x38;
	[tilespmem:$0x1D820] =	vst v63  }
0x10b: {  	_ =	swait.ge [sflag:s13], $0x320  }
0x10c: {  	[sflag:s13] =	ssyncset.done $0x0  }
0x10d: {  	[sflag:s13] =	ssyncadd.s32 $0xFFFFFCE0  }
0x10e: {  	[spmem:s7] =	stream.indirect.scatter.add.f32 [tilespmem:s17], [sflag:$0x1], $0x10, s19, s16, $0xb8;
	[tilespmem:$0x1D820] =	vst v63  }
0x10f: {  	_ =	swait.ge [sflag:s13], $0x3200  }
0x110: {  	s21 =	simm.s32 $0xC8;
	s20 =	simm.s32 $0x64;
	[sflag:s13] =	ssyncset.done $0x0  }
.LBB2_15:
0x111: {  	s22 =	sadd.s32 s20, s6  }
0x112: {  	[sflag:s13] =	ssyncadd.s32 $0xFFFFCE00;
	s23 =	smov.u32 s21;
	s24 =	sadd.s32 $0x64, s21  }
0x113: {  	[tilespmem:s18], [sflag:$0x1] =	stream.linear.gather [hbm4b:s22+s15], $0x320, $0x38;
	[tilespmem:$0x1D820] =	vst v63  }
0x114: {  	p0 =	sne.s32 s21, $0x960;
	_ =	swait.ge [sflag:s13], $0x320  }
0x115: {  	[sflag:s13] =	ssyncset.done $0x0  }
0x116: {  	[sflag:s13] =	ssyncadd.s32 $0xFFFFFCE0  }
0x117: {  	[tilespmem:s17], [sflag:$0x1] =	stream.indirect.gather [spmem:s4], $0x10, s18, s16, $0xb8;
	[tilespmem:$0x1D820] =	vst v63  }
0x118: {  	_ =	swait.ge [sflag:s13], $0x3200  }
0x119: {  	[sflag:s13] =	ssyncset.done $0x0  }
0x11a: {  	s21 =	sadd.s32 s20, s5;
	s20 =	smov.u32 s23;
	[sflag:s13] =	ssyncadd.s32 $0xFFFFCE00  }
0x11b: {  	[tilespmem:s19], [sflag:$0x1] =	stream.linear.gather [hbm4b:s21+s15], $0x320, $0x38;
	[tilespmem:$0x1D820] =	vst v63  }
0x11c: {  	_ =	swait.ge [sflag:s13], $0x320  }
.Ltmp7:
0x11d: {  	[sflag:s13] =	ssyncset.done $0x0;
	(pc) =	sbr.rel @p0 .LBB2_15-.Ltmp7, $4  }
0x11e: {  	[sflag:s13] =	ssyncadd.s32 $0xFFFFFCE0  }
0x11f: {  	[spmem:s7] =	stream.indirect.scatter.add.f32 [tilespmem:s17], [sflag:$0x1], $0x10, s19, s16, $0xb8;
	[tilespmem:$0x1D820] =	vst v63  }
0x120: {  	_ =	swait.ge [sflag:s13], $0x3200  }
0x121: {  	s21 =	smov.u32 s24;
	[sflag:s13] =	ssyncset.done $0x0  }
0x122: {  	s21 =	sadd.s32 s20, s6;
	[sflag:s13] =	ssyncadd.s32 $0xFFFFCE00  }
0x123: {  	[tilespmem:s18], [sflag:$0x1] =	stream.linear.gather [hbm4b:s21+s15], $0x320, $0x38;
	[tilespmem:$0x1D820] =	vst v63  }
0x124: {  	_ =	swait.ge [sflag:s13], $0x320  }
0x125: {  	[sflag:s13] =	ssyncset.done $0x0  }
0x126: {  	[sflag:s13] =	ssyncadd.s32 $0xFFFFFCE0  }
0x127: {  	[tilespmem:s17], [sflag:$0x1] =	stream.indirect.gather [spmem:s4], $0x10, s18, s16, $0xb8;
	[tilespmem:$0x1D820] =	vst v63  }
0x128: {  	_ =	swait.ge [sflag:s13], $0x3200  }
0x129: {  	[sflag:s13] =	ssyncset.done $0x0  }
0x12a: {  	s29 =	sadd.s32 s20, s5;
	[sflag:s13] =	ssyncadd.s32 $0xFFFFCE00  }
0x12b: {  	[tilespmem:s19], [sflag:$0x1] =	stream.linear.gather [hbm4b:s29+s15], $0x320, $0x38;
	[tilespmem:$0x1D820] =	vst v63  }
0x12c: {  	_ =	swait.ge [sflag:s13], $0x320  }
0x12d: {  	[sflag:s13] =	ssyncset.done $0x0  }
0x12e: {  	[sflag:s13] =	ssyncadd.s32 $0xFFFFFCE0  }
0x12f: {  	[spmem:s7] =	stream.indirect.scatter.add.f32 [tilespmem:s17], [sflag:$0x1], $0x10, s19, s16, $0xb8;
	[tilespmem:$0x1D820] =	vst v63  }
0x130: {  	_ =	swait.ge [sflag:s13], $0x3200  }
0x131: {  	[sflag:s13] =	ssyncset.done $0x0  }
0x132: {  	[sflag:s13] =	ssyncadd.s32 $0xFFFFCE00  }
0x133: {  	s30 =	simm.s32 $0x10AE0;
	s31 =	simm.s32 $0x1;
	[bflag:$0x0] =	sbarrier.arrive $0xFFFF  }
0x134: {  	[tilespmem:s30], [sflag:$0x1] =	stream.linear.gather [spmem:s11], $0x2800, $0x38;
	[tilespmem:$0x1D820] =	vst v63  }
0x135: {  	_ =	swait.ge [sflag:s31], $0x2800  }
0x136: {  	[sflag:s31] =	ssyncset.done $0x0  }
0x137: {  	v4 =	vimm.s32 $0xFEDCBA98;
	s13 =	simm.s32 $0x0;
	[sflag:s31] =	ssyncadd.s32 $0xFFFFD800  }
0x138: {  	v5 =	vimm.s32 $0x76543210;
	v4 =	vunpack.c.l.s4.s8 v4;
	v6 =	vld [tilespmem:s13+$0x182E0]  }
0x139: {  	v5 =	vunpack.c.l.s4.s8 v5;
	v7 =	vld [tilespmem:s13+$0x1AAE0]  }
0x13a: {  	v4 =	vunpack.c.0.s8.s32 v4;
	v8 =	vld [tilespmem:s13+$0x10AE0]  }
0x13b: {  	v5 =	vunpack.c.0.s8.s32 v5  }
0x13c: {  	v4 =	vand.u32 $0xF, v4  }
0x13d: {  	v4 =	vcombine.low v4, v5;
	s15 =	simm.s32 $0x10  }
0x13e: {  	v5 =	vld [tilespmem:s15+$0x182E0]  }
0x13f: {  	v9 =	vmul.f32 v7, v6;
	v8 =	vperm.xlane v8, v4;
	v6 =	vld [tilespmem:s15+$0x1AAE0]  }
0x140: {  	v7 =	vld [tilespmem:s15+$0x10AE0]  }
0x141: {  	s16 =	simm.s32 $0x80;
	v8 =	vmul.f32 v8, v9  }
.LBB2_17:
0x142: {  	p0 =	sne.s32 s16, $0x9FC0  }
.Ltmp8:
0x143: {  	[tilespmem:s13+$0x132E0] =	vst v8;
	v8 =	vmov v5;
	s13 =	smov.u32 s15;
	s15 =	sshra.s32 s16, $0x2;
	(pc) =	sbr.rel @p0 .LBB2_17-.Ltmp8, $4  }
0x144: {  	v5 =	vld [tilespmem:s15+$0x182E0]  }
0x145: {  	s16 =	sadd.s32 $0x40, s16;
	v8 =	vmul.f32 v6, v8;
	v6 =	vld [tilespmem:s15+$0x1AAE0];
	v9 =	vperm.xlane v7, v4  }
0x146: {  	v7 =	vld [tilespmem:s15+$0x10AE0]  }
0x147: {  	v8 =	vmul.f32 v9, v8  }
0x148: {  	_ =	sdelay $0x2  }
0x149: {  	v5 =	vmul.f32 v6, v5;
	v4 =	vperm.xlane v7, v4;
	_ =	sdelay $0x1  }
0x14a: {  	v4 =	vmul.f32 v4, v5  }
0x14b: {  	[tilespmem:s13+$0x132E0] =	vst v8  }
0x14c: {  	s31 =	simm.s32 $0x132E0;
	[tilespmem:s15+$0x132E0] =	vst v4;
	s15 =	simm.s32 $0x1  }
0x14d: {  	[spmem:s12] =	stream.linear.scatter [tilespmem:s31], [sflag:$0x1], $0x2800, $0x38;
	[tilespmem:$0x1D820] =	vst v63  }
0x14e: {  	_ =	swait.ge [sflag:s15], $0x2800  }
0x14f: {  	[sflag:s15] =	ssyncset.done $0x0  }
0x150: {  	s16 =	simm.s32 $0xE2E0;
	s13 =	sadd.s32 s14, s3;
	[sflag:s15] =	ssyncadd.s32 $0xFFFFD800  }
0x151: {  	[spmem:s13] =	stream.linear.scatter [tilespmem:s16], [sflag:$0x1], $0x2800, $0x38;
	[tilespmem:$0x1D820] =	vst v63  }
0x152: {  	_ =	swait.ge [sflag:s15], $0x2800  }
0x153: {  	[sflag:s15] =	ssyncset.done $0x0  }
0x154: {  	s19 =	simm.s32 $0xA820;
	[sflag:s15] =	ssyncadd.s32 $0xFFFFD800  }
0x155: {  	s17 =	sadd.s32 $0x0, s6;
	s16 =	simm.s32 $0x0;
	[bflag:$0x0] =	sbarrier.arrive $0xFFFF  }
0x156: {  	[tilespmem:s19], [sflag:$0x1] =	stream.linear.gather [hbm4b:s17+s16], $0x320, $0x38;
	[tilespmem:$0x1D820] =	vst v63  }
0x157: {  	_ =	swait.ge [sflag:s15], $0x320  }
0x158: {  	[sflag:s15] =	ssyncset.done $0x0  }
0x159: {  	s18 =	simm.s32 $0xAB40;
	s17 =	simm.s32 $0x320;
	[sflag:s15] =	ssyncadd.s32 $0xFFFFFCE0  }
0x15a: {  	[tilespmem:s18], [sflag:$0x1] =	stream.indirect.gather [spmem:s4], $0x10, s19, s17, $0xb8;
	[tilespmem:$0x1D820] =	vst v63  }
0x15b: {  	_ =	swait.ge [sflag:s15], $0x3200  }
0x15c: {  	[sflag:s15] =	ssyncset.done $0x0  }
0x15d: {  	s20 =	simm.s32 $0xA500;
	s21 =	sadd.s32 $0x0, s5;
	[sflag:s15] =	ssyncadd.s32 $0xFFFFCE00  }
0x15e: {  	[tilespmem:s20], [sflag:$0x1] =	stream.linear.gather [hbm4b:s21+s16], $0x320, $0x38;
	[tilespmem:$0x1D820] =	vst v63  }
0x15f: {  	_ =	swait.ge [sflag:s15], $0x320  }
0x160: {  	[sflag:s15] =	ssyncset.done $0x0  }
0x161: {  	[sflag:s15] =	ssyncadd.s32 $0xFFFFFCE0  }
0x162: {  	[spmem:s3] =	stream.indirect.scatter.add.f32 [tilespmem:s18], [sflag:$0x1], $0x10, s20, s17, $0xb8;
	[tilespmem:$0x1D820] =	vst v63  }
0x163: {  	_ =	swait.ge [sflag:s15], $0x3200  }
0x164: {  	s22 =	simm.s32 $0xC8;
	s21 =	simm.s32 $0x64;
	[sflag:s15] =	ssyncset.done $0x0  }
.LBB2_19:
0x165: {  	s23 =	sadd.s32 s21, s6  }
0x166: {  	[sflag:s15] =	ssyncadd.s32 $0xFFFFCE00;
	s24 =	smov.u32 s22;
	s25 =	sadd.s32 $0x64, s22  }
0x167: {  	[tilespmem:s19], [sflag:$0x1] =	stream.linear.gather [hbm4b:s23+s16], $0x320, $0x38;
	[tilespmem:$0x1D820] =	vst v63  }
0x168: {  	p0 =	sne.s32 s22, $0x960;
	_ =	swait.ge [sflag:s15], $0x320  }
0x169: {  	[sflag:s15] =	ssyncset.done $0x0  }
0x16a: {  	[sflag:s15] =	ssyncadd.s32 $0xFFFFFCE0  }
0x16b: {  	[tilespmem:s18], [sflag:$0x1] =	stream.indirect.gather [spmem:s4], $0x10, s19, s17, $0xb8;
	[tilespmem:$0x1D820] =	vst v63  }
0x16c: {  	_ =	swait.ge [sflag:s15], $0x3200  }
0x16d: {  	[sflag:s15] =	ssyncset.done $0x0  }
0x16e: {  	s22 =	sadd.s32 s21, s5;
	s21 =	smov.u32 s24;
	[sflag:s15] =	ssyncadd.s32 $0xFFFFCE00  }
0x16f: {  	[tilespmem:s20], [sflag:$0x1] =	stream.linear.gather [hbm4b:s22+s16], $0x320, $0x38;
	[tilespmem:$0x1D820] =	vst v63  }
0x170: {  	_ =	swait.ge [sflag:s15], $0x320  }
.Ltmp9:
0x171: {  	[sflag:s15] =	ssyncset.done $0x0;
	(pc) =	sbr.rel @p0 .LBB2_19-.Ltmp9, $4  }
0x172: {  	[sflag:s15] =	ssyncadd.s32 $0xFFFFFCE0  }
0x173: {  	[spmem:s3] =	stream.indirect.scatter.add.f32 [tilespmem:s18], [sflag:$0x1], $0x10, s20, s17, $0xb8;
	[tilespmem:$0x1D820] =	vst v63  }
0x174: {  	_ =	swait.ge [sflag:s15], $0x3200  }
0x175: {  	s22 =	smov.u32 s25;
	[sflag:s15] =	ssyncset.done $0x0  }
0x176: {  	s22 =	sadd.s32 s21, s6;
	[sflag:s15] =	ssyncadd.s32 $0xFFFFCE00  }
0x177: {  	[tilespmem:s19], [sflag:$0x1] =	stream.linear.gather [hbm4b:s22+s16], $0x320, $0x38;
	[tilespmem:$0x1D820] =	vst v63  }
0x178: {  	_ =	swait.ge [sflag:s15], $0x320  }
0x179: {  	[sflag:s15] =	ssyncset.done $0x0  }
0x17a: {  	[sflag:s15] =	ssyncadd.s32 $0xFFFFFCE0  }
0x17b: {  	[tilespmem:s18], [sflag:$0x1] =	stream.indirect.gather [spmem:s4], $0x10, s19, s17, $0xb8;
	[tilespmem:$0x1D820] =	vst v63  }
0x17c: {  	_ =	swait.ge [sflag:s15], $0x3200  }
0x17d: {  	[sflag:s15] =	ssyncset.done $0x0  }
0x17e: {  	s25 =	sadd.s32 s21, s5;
	[sflag:s15] =	ssyncadd.s32 $0xFFFFCE00  }
0x17f: {  	[tilespmem:s20], [sflag:$0x1] =	stream.linear.gather [hbm4b:s25+s16], $0x320, $0x38;
	[tilespmem:$0x1D820] =	vst v63  }
0x180: {  	_ =	swait.ge [sflag:s15], $0x320  }
0x181: {  	[sflag:s15] =	ssyncset.done $0x0  }
0x182: {  	[sflag:s15] =	ssyncadd.s32 $0xFFFFFCE0  }
0x183: {  	[spmem:s3] =	stream.indirect.scatter.add.f32 [tilespmem:s18], [sflag:$0x1], $0x10, s20, s17, $0xb8;
	[tilespmem:$0x1D820] =	vst v63  }
0x184: {  	_ =	swait.ge [sflag:s15], $0x3200  }
0x185: {  	[sflag:s15] =	ssyncset.done $0x0  }
0x186: {  	s10 =	sadd.s32 s10, s9;
	s26 =	simm.s32 $0x0;
	[sflag:s15] =	ssyncadd.s32 $0xFFFFCE00  }
0x187: {  	s28 =	simm.s32 $0x10AE0;
	s29 =	simm.s32 $0x1;
	[bflag:$0x0] =	sbarrier.arrive $0xFFFF  }
0x188: {  	[tilespmem:s28], [sflag:$0x1] =	stream.linear.gather [hbm4b:s10+s26], $0x2800, $0x38;
	[tilespmem:$0x1D820] =	vst v63  }
0x189: {  	_ =	swait.ge [sflag:s29], $0x2800  }
0x18a: {  	[sflag:s29] =	ssyncset.done $0x0  }
0x18b: {  	s30 =	simm.s32 $0x132E0;
	[sflag:s29] =	ssyncadd.s32 $0xFFFFD800  }
0x18c: {  	[tilespmem:s30], [sflag:$0x1] =	stream.linear.gather [spmem:s11], $0x2800, $0x38;
	[tilespmem:$0x1D820] =	vst v63  }
0x18d: {  	_ =	swait.ge [sflag:s29], $0x2800  }
0x18e: {  	[sflag:s29] =	ssyncset.done $0x0  }
0x18f: {  	s31 =	simm.s32 $0x15AE0;
	[sflag:s29] =	ssyncadd.s32 $0xFFFFD800  }
0x190: {  	[tilespmem:s31], [sflag:$0x1] =	stream.linear.gather [spmem:s13], $0x2800, $0x38;
	[tilespmem:$0x1D820] =	vst v63  }
0x191: {  	_ =	swait.ge [sflag:s29], $0x2800  }
0x192: {  	[sflag:s29] =	ssyncset.done $0x0  }
0x193: {  	s10 =	simm.s32 $0x0;
	[sflag:s29] =	ssyncadd.s32 $0xFFFFD800  }
0x194: {  	v4 =	vld [tilespmem:s10+$0x182E0]  }
0x195: {  	v5 =	vld [tilespmem:s10+$0x132E0]  }
0x196: {  	v6 =	vld [tilespmem:s10+$0x15AE0]  }
0x197: {  	v7 =	vld [tilespmem:s10+$0x10AE0];
	_ =	sdelay $0x2  }
0x198: {  	v5 =	vmul.f32 v5, v4;
	v4 =	vadd.f32 v4, v4;
	_ =	sdelay $0x1  }
0x199: {  	v5 =	vsub.f32 v7, v5;
	v4 =	vmul.f32 v6, v4;
	_ =	sdelay $0x1  }
0x19a: {  	v4 =	vadd.f32 v4, v5;
	_ =	sdelay $0x1  }
0x19b: {  	s16 =	simm.s32 $0x10;
	v5 =	vadd.f32 v4, v0  }
0x19c: {  	s15 =	simm.s32 $0x80;
	v4 =	vld [tilespmem:s16+$0x182E0]  }
.LBB2_21:
0x19d: {  	p0 =	sne.s32 s15, $0x9FC0;
	v6 =	vld [tilespmem:s16+$0x132E0];
	v5 =	vmax.f32 v5, $0.0e+00  }
0x19e: {  	v7 =	vld [tilespmem:s16+$0x15AE0];
	[tilespmem:s10+$0x10AE0] =	vst v5;
	s10 =	smov.u32 s16  }
0x19f: {  	v5 =	vld [tilespmem:s10+$0x10AE0];
	_ =	sdelay $0x2  }
0x1a0: {  	v6 =	vmul.f32 v6, v4;
	v4 =	vadd.f32 v4, v4;
	_ =	sdelay $0x1  }
0x1a1: {  	v5 =	vsub.f32 v5, v6;
	v4 =	vmul.f32 v7, v4  }
.Ltmp10:
0x1a2: {  	(pc) =	sbr.rel @p0 .LBB2_21-.Ltmp10, $3  }
0x1a3: {  	v4 =	vadd.f32 v4, v5;
	_ =	sdelay $0x1  }
0x1a4: {  	s16 =	sshra.s32 s15, $0x2;
	v5 =	vadd.f32 v4, v0  }
0x1a5: {  	s15 =	sadd.s32 $0x40, s15;
	v4 =	vld [tilespmem:s16+$0x182E0]  }
0x1a6: {  	v6 =	vld [tilespmem:s16+$0x132E0];
	v5 =	vmax.f32 v5, $0.0e+00  }
0x1a7: {  	v7 =	vld [tilespmem:s16+$0x15AE0];
	[tilespmem:s10+$0x10AE0] =	vst v5  }
0x1a8: {  	v5 =	vld [tilespmem:s16+$0x10AE0];
	_ =	sdelay $0x2  }
0x1a9: {  	v6 =	vmul.f32 v6, v4;
	v4 =	vadd.f32 v4, v4;
	_ =	sdelay $0x1  }
0x1aa: {  	v5 =	vsub.f32 v5, v6;
	v4 =	vmul.f32 v7, v4;
	_ =	sdelay $0x1  }
0x1ab: {  	v4 =	vadd.f32 v4, v5;
	_ =	sdelay $0x1  }
0x1ac: {  	v4 =	vadd.f32 v4, v0;
	_ =	sdelay $0x1  }
0x1ad: {  	v4 =	vmax.f32 v4, $0.0e+00  }
0x1ae: {  	s8 =	sadd.s32 s14, s8;
	s30 =	simm.s32 $0x10AE0;
	s31 =	simm.s32 $0x1;
	[tilespmem:s16+$0x10AE0] =	vst v4  }
0x1af: {  	[spmem:s8] =	stream.linear.scatter [tilespmem:s30], [sflag:$0x1], $0x2800, $0x38;
	[tilespmem:$0x1D820] =	vst v63  }
0x1b0: {  	_ =	swait.ge [sflag:s31], $0x2800  }
0x1b1: {  	[sflag:s31] =	ssyncset.done $0x0  }
0x1b2: {  	s10 =	simm.s32 $0x0;
	[sflag:s31] =	ssyncadd.s32 $0xFFFFD800  }
0x1b3: {  	v4 =	vld [tilespmem:s10+$0x1AAE0]  }
0x1b4: {  	s14 =	simm.s32 $0x40;
	v5 =	vld [tilespmem:s10+$0x10AE0]  }
.LBB2_23:
0x1b5: {  	_ = 	snop  }
0x1b6: {  	p0 =	sne.s32 s14, $0x9FC0  }
.Ltmp11:
0x1b7: {  	_ = 	snop;
	(pc) =	sbr.rel @p0 .LBB2_23-.Ltmp11, $4  }
0x1b8: {  	_ = 	snop  }
0x1b9: {  	s15 =	sshra.s32 s14, $0x2;
	v6 =	vmul.f32 v5, v4  }
0x1ba: {  	v4 =	vld [tilespmem:s15+$0x1AAE0]  }
0x1bb: {  	s14 =	sadd.s32 $0x40, s14;
	v5 =	vld [tilespmem:s15+$0x10AE0];
	[tilespmem:s10+$0x132E0] =	vst v6;
	s10 =	smov.u32 s15  }
0x1bc: {  	_ =	sdelay $0x3  }
0x1bd: {  	v4 =	vmul.f32 v5, v4;
	_ =	sdelay $0x1  }
0x1be: {  	s31 =	simm.s32 $0x132E0;
	[tilespmem:s10+$0x132E0] =	vst v4;
	s10 =	simm.s32 $0x1  }
0x1bf: {  	[spmem:s12] =	stream.linear.scatter [tilespmem:s31], [sflag:$0x1], $0x2800, $0x38;
	[tilespmem:$0x1D820] =	vst v63  }
0x1c0: {  	_ =	swait.ge [sflag:s10], $0x2800  }
0x1c1: {  	[sflag:s10] =	ssyncset.done $0x0  }
0x1c2: {  	s14 =	simm.s32 $0xE2E0;
	[sflag:s10] =	ssyncadd.s32 $0xFFFFD800  }
0x1c3: {  	[spmem:s11] =	stream.linear.scatter [tilespmem:s14], [sflag:$0x1], $0x2800, $0x38;
	[tilespmem:$0x1D820] =	vst v63  }
0x1c4: {  	_ =	swait.ge [sflag:s10], $0x2800  }
0x1c5: {  	[sflag:s10] =	ssyncset.done $0x0  }
0x1c6: {  	s17 =	simm.s32 $0xA820;
	[sflag:s10] =	ssyncadd.s32 $0xFFFFD800  }
0x1c7: {  	s15 =	sadd.s32 $0x0, s6;
	s14 =	simm.s32 $0x0;
	[bflag:$0x0] =	sbarrier.arrive $0xFFFF  }
0x1c8: {  	[tilespmem:s17], [sflag:$0x1] =	stream.linear.gather [hbm4b:s15+s14], $0x320, $0x38;
	[tilespmem:$0x1D820] =	vst v63  }
0x1c9: {  	_ =	swait.ge [sflag:s10], $0x320  }
0x1ca: {  	[sflag:s10] =	ssyncset.done $0x0  }
0x1cb: {  	s16 =	simm.s32 $0xAB40;
	s15 =	simm.s32 $0x320;
	[sflag:s10] =	ssyncadd.s32 $0xFFFFFCE0  }
0x1cc: {  	[tilespmem:s16], [sflag:$0x1] =	stream.indirect.gather [spmem:s4], $0x10, s17, s15, $0xb8;
	[tilespmem:$0x1D820] =	vst v63  }
0x1cd: {  	_ =	swait.ge [sflag:s10], $0x3200  }
0x1ce: {  	[sflag:s10] =	ssyncset.done $0x0  }
0x1cf: {  	s18 =	simm.s32 $0xA500;
	s19 =	sadd.s32 $0x0, s5;
	[sflag:s10] =	ssyncadd.s32 $0xFFFFCE00  }
0x1d0: {  	[tilespmem:s18], [sflag:$0x1] =	stream.linear.gather [hbm4b:s19+s14], $0x320, $0x38;
	[tilespmem:$0x1D820] =	vst v63  }
0x1d1: {  	_ =	swait.ge [sflag:s10], $0x320  }
0x1d2: {  	[sflag:s10] =	ssyncset.done $0x0  }
0x1d3: {  	[sflag:s10] =	ssyncadd.s32 $0xFFFFFCE0  }
0x1d4: {  	[spmem:s7] =	stream.indirect.scatter.add.f32 [tilespmem:s16], [sflag:$0x1], $0x10, s18, s15, $0xb8;
	[tilespmem:$0x1D820] =	vst v63  }
0x1d5: {  	_ =	swait.ge [sflag:s10], $0x3200  }
0x1d6: {  	s20 =	simm.s32 $0xC8;
	s19 =	simm.s32 $0x64;
	[sflag:s10] =	ssyncset.done $0x0  }
.LBB2_25:
0x1d7: {  	s21 =	sadd.s32 s19, s6  }
0x1d8: {  	[sflag:s10] =	ssyncadd.s32 $0xFFFFCE00;
	s22 =	smov.u32 s20;
	s23 =	sadd.s32 $0x64, s20  }
0x1d9: {  	[tilespmem:s17], [sflag:$0x1] =	stream.linear.gather [hbm4b:s21+s14], $0x320, $0x38;
	[tilespmem:$0x1D820] =	vst v63  }
0x1da: {  	p0 =	sne.s32 s20, $0x960;
	_ =	swait.ge [sflag:s10], $0x320  }
0x1db: {  	[sflag:s10] =	ssyncset.done $0x0  }
0x1dc: {  	[sflag:s10] =	ssyncadd.s32 $0xFFFFFCE0  }
0x1dd: {  	[tilespmem:s16], [sflag:$0x1] =	stream.indirect.gather [spmem:s4], $0x10, s17, s15, $0xb8;
	[tilespmem:$0x1D820] =	vst v63  }
0x1de: {  	_ =	swait.ge [sflag:s10], $0x3200  }
0x1df: {  	[sflag:s10] =	ssyncset.done $0x0  }
0x1e0: {  	s20 =	sadd.s32 s19, s5;
	s19 =	smov.u32 s22;
	[sflag:s10] =	ssyncadd.s32 $0xFFFFCE00  }
0x1e1: {  	[tilespmem:s18], [sflag:$0x1] =	stream.linear.gather [hbm4b:s20+s14], $0x320, $0x38;
	[tilespmem:$0x1D820] =	vst v63  }
0x1e2: {  	_ =	swait.ge [sflag:s10], $0x320  }
.Ltmp12:
0x1e3: {  	[sflag:s10] =	ssyncset.done $0x0;
	(pc) =	sbr.rel @p0 .LBB2_25-.Ltmp12, $4  }
0x1e4: {  	[sflag:s10] =	ssyncadd.s32 $0xFFFFFCE0  }
0x1e5: {  	[spmem:s7] =	stream.indirect.scatter.add.f32 [tilespmem:s16], [sflag:$0x1], $0x10, s18, s15, $0xb8;
	[tilespmem:$0x1D820] =	vst v63  }
0x1e6: {  	_ =	swait.ge [sflag:s10], $0x3200  }
0x1e7: {  	s20 =	smov.u32 s23;
	[sflag:s10] =	ssyncset.done $0x0  }
0x1e8: {  	s20 =	sadd.s32 s19, s6;
	[sflag:s10] =	ssyncadd.s32 $0xFFFFCE00  }
0x1e9: {  	[tilespmem:s17], [sflag:$0x1] =	stream.linear.gather [hbm4b:s20+s14], $0x320, $0x38;
	[tilespmem:$0x1D820] =	vst v63  }
0x1ea: {  	_ =	swait.ge [sflag:s10], $0x320  }
0x1eb: {  	[sflag:s10] =	ssyncset.done $0x0  }
0x1ec: {  	[sflag:s10] =	ssyncadd.s32 $0xFFFFFCE0  }
0x1ed: {  	[tilespmem:s16], [sflag:$0x1] =	stream.indirect.gather [spmem:s4], $0x10, s17, s15, $0xb8;
	[tilespmem:$0x1D820] =	vst v63  }
0x1ee: {  	_ =	swait.ge [sflag:s10], $0x3200  }
0x1ef: {  	[sflag:s10] =	ssyncset.done $0x0  }
0x1f0: {  	s29 =	sadd.s32 s19, s5;
	[sflag:s10] =	ssyncadd.s32 $0xFFFFCE00  }
0x1f1: {  	[tilespmem:s18], [sflag:$0x1] =	stream.linear.gather [hbm4b:s29+s14], $0x320, $0x38;
	[tilespmem:$0x1D820] =	vst v63  }
0x1f2: {  	_ =	swait.ge [sflag:s10], $0x320  }
0x1f3: {  	[sflag:s10] =	ssyncset.done $0x0  }
0x1f4: {  	[sflag:s10] =	ssyncadd.s32 $0xFFFFFCE0  }
0x1f5: {  	[spmem:s7] =	stream.indirect.scatter.add.f32 [tilespmem:s16], [sflag:$0x1], $0x10, s18, s15, $0xb8;
	[tilespmem:$0x1D820] =	vst v63  }
0x1f6: {  	_ =	swait.ge [sflag:s10], $0x3200  }
0x1f7: {  	[sflag:s10] =	ssyncset.done $0x0  }
0x1f8: {  	[sflag:s10] =	ssyncadd.s32 $0xFFFFCE00  }
0x1f9: {  	s30 =	simm.s32 $0x132E0;
	s31 =	simm.s32 $0x1;
	[bflag:$0x0] =	sbarrier.arrive $0xFFFF  }
0x1fa: {  	[tilespmem:s30], [sflag:$0x1] =	stream.linear.gather [spmem:s11], $0x2800, $0x38;
	[tilespmem:$0x1D820] =	vst v63  }
0x1fb: {  	_ =	swait.ge [sflag:s31], $0x2800  }
0x1fc: {  	[sflag:s31] =	ssyncset.done $0x0  }
0x1fd: {  	s7 =	simm.s32 $0x0;
	[sflag:s31] =	ssyncadd.s32 $0xFFFFD800  }
0x1fe: {  	v4 =	vld [tilespmem:s7+$0x182E0]  }
0x1ff: {  	v5 =	vld [tilespmem:s7+$0x1AAE0];
	_ =	sdelay $0x1  }
0x200: {  	v6 =	vld [tilespmem:s7+$0x132E0];
	_ =	sdelay $0x2  }
0x201: {  	v5 =	vmul.f32 v5, v4  }
0x202: {  	s10 =	simm.s32 $0x10  }
0x203: {  	s14 =	simm.s32 $0x80;
	v4 =	vld [tilespmem:s10+$0x182E0];
	v5 =	vmul.f32 v6, v5  }
.LBB2_27:
0x204: {  	p0 =	sne.s32 s14, $0x9FC0;
	v6 =	vld [tilespmem:s10+$0x1AAE0]  }
0x205: {  	[tilespmem:s7+$0x132E0] =	vst v5;
	s7 =	smov.u32 s10  }
0x206: {  	v5 =	vld [tilespmem:s7+$0x132E0]  }
.Ltmp13:
0x207: {  	(pc) =	sbr.rel @p0 .LBB2_27-.Ltmp13, $4  }
0x208: {  	_ = 	snop  }
0x209: {  	v6 =	vmul.f32 v6, v4  }
0x20a: {  	s10 =	sshra.s32 s14, $0x2  }
0x20b: {  	s14 =	sadd.s32 $0x40, s14;
	v4 =	vld [tilespmem:s10+$0x182E0];
	v5 =	vmul.f32 v5, v6  }
0x20c: {  	v6 =	vld [tilespmem:s10+$0x1AAE0]  }
0x20d: {  	[tilespmem:s7+$0x132E0] =	vst v5  }
0x20e: {  	v5 =	vld [tilespmem:s10+$0x132E0];
	_ =	sdelay $0x2  }
0x20f: {  	v4 =	vmul.f32 v6, v4;
	_ =	sdelay $0x1  }
0x210: {  	v4 =	vmul.f32 v5, v4;
	_ =	sdelay $0x1  }
0x211: {  	s29 =	simm.s32 $0x132E0;
	s7 =	simm.s32 $0x1;
	[tilespmem:s10+$0x132E0] =	vst v4  }
0x212: {  	[spmem:s12] =	stream.linear.scatter [tilespmem:s29], [sflag:$0x1], $0x2800, $0x38;
	[tilespmem:$0x1D820] =	vst v63  }
0x213: {  	_ =	swait.ge [sflag:s7], $0x2800  }
0x214: {  	[sflag:s7] =	ssyncset.done $0x0  }
0x215: {  	s30 =	simm.s32 $0xE2E0;
	[sflag:s7] =	ssyncadd.s32 $0xFFFFD800  }
0x216: {  	[spmem:s13] =	stream.linear.scatter [tilespmem:s30], [sflag:$0x1], $0x2800, $0x38;
	[tilespmem:$0x1D820] =	vst v63  }
0x217: {  	_ =	swait.ge [sflag:s7], $0x2800  }
0x218: {  	[sflag:s7] =	ssyncset.done $0x0  }
0x219: {  	s15 =	simm.s32 $0xA820;
	[sflag:s7] =	ssyncadd.s32 $0xFFFFD800  }
0x21a: {  	s31 =	sadd.s32 $0x0, s6;
	s10 =	simm.s32 $0x0;
	[bflag:$0x0] =	sbarrier.arrive $0xFFFF  }
0x21b: {  	[tilespmem:s15], [sflag:$0x1] =	stream.linear.gather [hbm4b:s31+s10], $0x320, $0x38;
	[tilespmem:$0x1D820] =	vst v63  }
0x21c: {  	_ =	swait.ge [sflag:s7], $0x320  }
0x21d: {  	[sflag:s7] =	ssyncset.done $0x0  }
0x21e: {  	s14 =	simm.s32 $0xAB40;
	s12 =	simm.s32 $0x320;
	[sflag:s7] =	ssyncadd.s32 $0xFFFFFCE0  }
0x21f: {  	[tilespmem:s14], [sflag:$0x1] =	stream.indirect.gather [spmem:s4], $0x10, s15, s12, $0xb8;
	[tilespmem:$0x1D820] =	vst v63  }
0x220: {  	_ =	swait.ge [sflag:s7], $0x3200  }
0x221: {  	[sflag:s7] =	ssyncset.done $0x0  }
0x222: {  	s16 =	simm.s32 $0xA500;
	s17 =	sadd.s32 $0x0, s5;
	[sflag:s7] =	ssyncadd.s32 $0xFFFFCE00  }
0x223: {  	[tilespmem:s16], [sflag:$0x1] =	stream.linear.gather [hbm4b:s17+s10], $0x320, $0x38;
	[tilespmem:$0x1D820] =	vst v63  }
0x224: {  	_ =	swait.ge [sflag:s7], $0x320  }
0x225: {  	[sflag:s7] =	ssyncset.done $0x0  }
0x226: {  	[sflag:s7] =	ssyncadd.s32 $0xFFFFFCE0  }
0x227: {  	[spmem:s3] =	stream.indirect.scatter.add.f32 [tilespmem:s14], [sflag:$0x1], $0x10, s16, s12, $0xb8;
	[tilespmem:$0x1D820] =	vst v63  }
0x228: {  	_ =	swait.ge [sflag:s7], $0x3200  }
0x229: {  	s18 =	simm.s32 $0xC8;
	s17 =	simm.s32 $0x64;
	[sflag:s7] =	ssyncset.done $0x0  }
.LBB2_29:
0x22a: {  	s19 =	sadd.s32 s17, s6  }
0x22b: {  	[sflag:s7] =	ssyncadd.s32 $0xFFFFCE00;
	s20 =	smov.u32 s18;
	s21 =	sadd.s32 $0x64, s18  }
0x22c: {  	[tilespmem:s15], [sflag:$0x1] =	stream.linear.gather [hbm4b:s19+s10], $0x320, $0x38;
	[tilespmem:$0x1D820] =	vst v63  }
0x22d: {  	p0 =	sne.s32 s18, $0x960;
	_ =	swait.ge [sflag:s7], $0x320  }
0x22e: {  	[sflag:s7] =	ssyncset.done $0x0  }
0x22f: {  	[sflag:s7] =	ssyncadd.s32 $0xFFFFFCE0  }
0x230: {  	[tilespmem:s14], [sflag:$0x1] =	stream.indirect.gather [spmem:s4], $0x10, s15, s12, $0xb8;
	[tilespmem:$0x1D820] =	vst v63  }
0x231: {  	_ =	swait.ge [sflag:s7], $0x3200  }
0x232: {  	[sflag:s7] =	ssyncset.done $0x0  }
0x233: {  	s18 =	sadd.s32 s17, s5;
	s17 =	smov.u32 s20;
	[sflag:s7] =	ssyncadd.s32 $0xFFFFCE00  }
0x234: {  	[tilespmem:s16], [sflag:$0x1] =	stream.linear.gather [hbm4b:s18+s10], $0x320, $0x38;
	[tilespmem:$0x1D820] =	vst v63  }
0x235: {  	_ =	swait.ge [sflag:s7], $0x320  }
.Ltmp14:
0x236: {  	[sflag:s7] =	ssyncset.done $0x0;
	(pc) =	sbr.rel @p0 .LBB2_29-.Ltmp14, $4  }
0x237: {  	[sflag:s7] =	ssyncadd.s32 $0xFFFFFCE0  }
0x238: {  	[spmem:s3] =	stream.indirect.scatter.add.f32 [tilespmem:s14], [sflag:$0x1], $0x10, s16, s12, $0xb8;
	[tilespmem:$0x1D820] =	vst v63  }
0x239: {  	_ =	swait.ge [sflag:s7], $0x3200  }
0x23a: {  	s18 =	smov.u32 s21;
	[sflag:s7] =	ssyncset.done $0x0  }
0x23b: {  	s6 =	sadd.s32 s17, s6;
	[sflag:s7] =	ssyncadd.s32 $0xFFFFCE00  }
0x23c: {  	[tilespmem:s15], [sflag:$0x1] =	stream.linear.gather [hbm4b:s6+s10], $0x320, $0x38;
	[tilespmem:$0x1D820] =	vst v63  }
0x23d: {  	_ =	swait.ge [sflag:s7], $0x320  }
0x23e: {  	[sflag:s7] =	ssyncset.done $0x0  }
0x23f: {  	[sflag:s7] =	ssyncadd.s32 $0xFFFFFCE0  }
0x240: {  	[tilespmem:s14], [sflag:$0x1] =	stream.indirect.gather [spmem:s4], $0x10, s15, s12, $0xb8;
	[tilespmem:$0x1D820] =	vst v63  }
0x241: {  	_ =	swait.ge [sflag:s7], $0x3200  }
0x242: {  	[sflag:s7] =	ssyncset.done $0x0  }
0x243: {  	s26 =	sadd.s32 s17, s5;
	[sflag:s7] =	ssyncadd.s32 $0xFFFFCE00  }
0x244: {  	[tilespmem:s16], [sflag:$0x1] =	stream.linear.gather [hbm4b:s26+s10], $0x320, $0x38;
	[tilespmem:$0x1D820] =	vst v63  }
0x245: {  	_ =	swait.ge [sflag:s7], $0x320  }
0x246: {  	[sflag:s7] =	ssyncset.done $0x0  }
0x247: {  	[sflag:s7] =	ssyncadd.s32 $0xFFFFFCE0  }
0x248: {  	[spmem:s3] =	stream.indirect.scatter.add.f32 [tilespmem:s14], [sflag:$0x1], $0x10, s16, s12, $0xb8;
	[tilespmem:$0x1D820] =	vst v63  }
0x249: {  	_ =	swait.ge [sflag:s7], $0x3200  }
0x24a: {  	[sflag:s7] =	ssyncset.done $0x0  }
0x24b: {  	[sflag:s7] =	ssyncadd.s32 $0xFFFFCE00  }
0x24c: {  	s28 =	simm.s32 $0x10AE0;
	s29 =	simm.s32 $0x1;
	[bflag:$0x0] =	sbarrier.arrive $0xFFFF  }
0x24d: {  	[tilespmem:s28], [sflag:$0x1] =	stream.linear.gather [spmem:s8], $0x2800, $0x38;
	[tilespmem:$0x1D820] =	vst v63  }
0x24e: {  	_ =	swait.ge [sflag:s29], $0x2800  }
0x24f: {  	[sflag:s29] =	ssyncset.done $0x0  }
0x250: {  	s30 =	simm.s32 $0x132E0;
	[sflag:s29] =	ssyncadd.s32 $0xFFFFD800  }
0x251: {  	[tilespmem:s30], [sflag:$0x1] =	stream.linear.gather [spmem:s11], $0x2800, $0x38;
	[tilespmem:$0x1D820] =	vst v63  }
0x252: {  	_ =	swait.ge [sflag:s29], $0x2800  }
0x253: {  	[sflag:s29] =	ssyncset.done $0x0  }
0x254: {  	s31 =	simm.s32 $0x15AE0;
	[sflag:s29] =	ssyncadd.s32 $0xFFFFD800  }
0x255: {  	[tilespmem:s31], [sflag:$0x1] =	stream.linear.gather [spmem:s13], $0x2800, $0x38;
	[tilespmem:$0x1D820] =	vst v63  }
0x256: {  	_ =	swait.ge [sflag:s29], $0x2800  }
0x257: {  	[sflag:s29] =	ssyncset.done $0x0  }
0x258: {  	s3 =	simm.s32 $0x0;
	[sflag:s29] =	ssyncadd.s32 $0xFFFFD800  }
0x259: {  	v4 =	vld [tilespmem:s3+$0x15AE0]  }
0x25a: {  	v5 =	vld [tilespmem:s3+$0x132E0];
	_ =	sdelay $0x2  }
0x25b: {  	v6 =	vld [tilespmem:s3+$0x182E0]  }
0x25c: {  	v7 =	vld [tilespmem:s3+$0x10AE0]  }
0x25d: {  	v4 =	vmul.f32 v4, v3;
	v5 =	vmul.f32 v5, v2;
	_ =	sdelay $0x1  }
0x25e: {  	v4 =	vsub.f32 v4, v5;
	_ =	sdelay $0x1  }
0x25f: {  	v5 =	vmul.f32 v7, v1;
	v4 =	vmul.f32 v4, v6;
	_ =	sdelay $0x1  }
0x260: {  	s4 =	simm.s32 $0x10;
	v5 =	vadd.f32 v4, v5  }
0x261: {  	s5 =	simm.s32 $0x80;
	v4 =	vld [tilespmem:s4+$0x15AE0]  }
.LBB2_31:
0x262: {  	p0 =	sne.s32 s5, $0x9FC0;
	v6 =	vld [tilespmem:s4+$0x132E0];
	v5 =	vadd.f32 v5, v0;
	_ =	sdelay $0x1  }
0x263: {  	v5 =	vmax.f32 v5, $0.0e+00  }
0x264: {  	v7 =	vld [tilespmem:s4+$0x182E0];
	[tilespmem:s3+$0x10AE0] =	vst v5;
	s3 =	smov.u32 s4  }
0x265: {  	v5 =	vld [tilespmem:s3+$0x10AE0]  }
0x266: {  	v4 =	vmul.f32 v4, v3;
	v6 =	vmul.f32 v6, v2;
	_ =	sdelay $0x1  }
0x267: {  	v4 =	vsub.f32 v4, v6  }
.Ltmp15:
0x268: {  	(pc) =	sbr.rel @p0 .LBB2_31-.Ltmp15, $3  }
0x269: {  	v5 =	vmul.f32 v5, v1;
	v4 =	vmul.f32 v4, v7;
	_ =	sdelay $0x1  }
0x26a: {  	s4 =	sshra.s32 s5, $0x2;
	v5 =	vadd.f32 v4, v5  }
0x26b: {  	s5 =	sadd.s32 $0x40, s5;
	v4 =	vld [tilespmem:s4+$0x15AE0]  }
0x26c: {  	v6 =	vld [tilespmem:s4+$0x132E0];
	v5 =	vadd.f32 v5, v0;
	_ =	sdelay $0x1  }
0x26d: {  	v5 =	vmax.f32 v5, $0.0e+00  }
0x26e: {  	v7 =	vld [tilespmem:s4+$0x182E0];
	[tilespmem:s3+$0x10AE0] =	vst v5  }
0x26f: {  	v5 =	vld [tilespmem:s4+$0x10AE0]  }
0x270: {  	v3 =	vmul.f32 v4, v3;
	v2 =	vmul.f32 v6, v2;
	_ =	sdelay $0x1  }
0x271: {  	v2 =	vsub.f32 v3, v2;
	_ =	sdelay $0x1  }
0x272: {  	v1 =	vmul.f32 v5, v1;
	v2 =	vmul.f32 v2, v7;
	_ =	sdelay $0x1  }
0x273: {  	v1 =	vadd.f32 v2, v1;
	_ =	sdelay $0x1  }
0x274: {  	v63 =	vadd.f32 v1, v0;
	_ =	sdelay $0x1  }
0x275: {  	s2 =	sadd.s32 s2, s9;
	v0 =	vmax.f32 v63, $0.0e+00  }
0x276: {  	s29 =	simm.s32 $0x0;
	s30 =	simm.s32 $0x10AE0;
	s31 =	simm.s32 $0x1;
	[tilespmem:s4+$0x10AE0] =	vst v0  }
0x277: {  	[hbm4b:s2+s29] =	stream.linear.scatter [tilespmem:s30], [sflag:$0x1], $0x2800, $0x38;
	[tilespmem:$0x1D820] =	vst v63  }
0x278: {  	_ =	swait.ge [sflag:s31], $0x2800  }
0x279: {  	[sflag:s31] =	ssyncset.done $0x0  }
0x27a: {  	[sflag:s31] =	ssyncadd.s32 $0xFFFFD800  }
0x27b: {  	_ =	sfence.sel $0x180000  }
0x27c: {  	[bflag:$0x0] =	sbarrier.arrive $0xFFFF  }
0x27d: {  	p0 =	sne.s32 s1, $0x0;
	_ =	strace $0x90000047  }
0x27e: {  	s0 =	sadd.s32 @!p0 $0x100000, s0;
	[bflag:$0x2] =	sbarrier.arrive $0xFFFF  }
0x27f: {  	[sflag:s0] =	ssyncadd.tile.s32 @!p0 $0x1;
	_ =	shalt  }
.Lfunc_end2:
_tile_overlayer_lowered:
.L_overlay_start_2:
0x280: {  	(tag) =	ssettag $0x2  }
0x281: {  	s0 =	rddreg [dreg:$0x0];
	s2 =	stileid.u32  }
0x282: {  	s1 =	rddreg [dreg:$0x1];
	p0 =	sne.s32 s2, $0x0  }
0x283: {  	s3 =	rddreg [dreg:$0x2];
	[bflag:$0x3] =	sbarrier.arrive $0xFFFF;
	s2 =	simm.s32 @!p0 $0x1C01  }
0x284: {  	[timem:s3], [sflag:s2] =	dma.local @!p0 [hbm:s0], s1  }
0x285: {  	s0 =	simm.s32 @!p0 $0x1  }
0x286: {  	_ =	swait.ge @!p0 [sflag:s0], s1  }
0x287: {  	s1 =	ssub.s32 @!p0 $0x0, s1;
	[sflag:s0] =	ssyncset.done @!p0 $0x0  }
0x288: {  	[sflag:s0] =	ssyncadd.s32 @!p0 s1  }
0x289: {  	[bflag:$0x3] =	sbarrier.arrive $0xFFFF  }
0x28a: {  	_ =	shalt  }

</sc_bundles>
